<compile_context>
chip_gen: v7x
topology: tpu7x:2x2x1
jax: 0.10.2.dev20260603
libtpu: 0.0.44.dev20260713+nightly
codegen_flags: <defaults>
</compile_context>

<pallas_src>
import functools

import jax
import jax.numpy as jnp
from jax import lax
from jax.experimental import pallas as pl
from jax.experimental.pallas import tpu as pltpu
from jax.experimental.pallas import tpu_sc as plsc

_VOCAB = 1000000
_D = 64
_BATCH = 4096
_HIST = 200
_BB = 128
_TT = 2
_CH = _TT * _BB
_PW = 137


@functools.cache
def _build(nw: int, nc: int):
    assert _BATCH // nw == _BB
    n_chunks = _HIST // _TT
    n_groups = n_chunks // 2
    b_per_w = _BB * _HIST
    mesh = plsc.VectorSubcoreMesh(core_axis_name="c", subcore_axis_name="s")

    @functools.partial(
        pl.kernel,
        mesh=mesh,
        out_type=jax.ShapeDtypeStruct(
            (_HIST, _D // 8, _BATCH // _BB, 8, _BB), jnp.float32
        ),
        compiler_params=pltpu.CompilerParams(
            use_tc_tiling_on_sc=False, needs_layout_passes=False
        ),
        scratch_types=[
            pltpu.VMEM((b_per_w,), jnp.int32),
            pltpu.VMEM((b_per_w,), jnp.int32),
            pltpu.VMEM((2, _CH, _D), jnp.float32),
            pltpu.VMEM((2, _TT, _D // 8, 8, _PW), jnp.float32),
            pltpu.SemaphoreType.DMA,
            pltpu.SemaphoreType.DMA,
            pltpu.SemaphoreType.DMA,
            pltpu.SemaphoreType.DMA,
        ],
    )
    def k(idx_hbm, table_hbm, out_hbm, stage_v, idxt_v, rows_v, patch_v,
          g0, g1, p0, p1):
        wid = lax.axis_index("s") * nc + lax.axis_index("c")
        b0 = wid * _BB
        lanes = lax.iota(jnp.int32, 16)

        pltpu.sync_copy(idx_hbm.at[pl.ds(b0 * _HIST, b_per_w)], stage_v)

        def shuffle(t, _):
            for g in range(_BB // 16):
                src = (g * 16 + lanes) * _HIST + t
                vec = plsc.load_gather(stage_v, [src])
                idxt_v[pl.ds(t * _BB + g * 16, 16)] = vec
            return ()

        lax.fori_loop(0, _HIST, shuffle, (), unroll=False)

        gsems = (g0, g1)
        psems = (p0, p1)

        def gather(c, buf):
            pltpu.async_copy(
                table_hbm.at[idxt_v.at[pl.ds(c * _CH, _CH)]],
                rows_v.at[buf],
                gsems[buf],
            )

        def wait_gather(c, buf):
            pltpu.make_async_copy(
                table_hbm.at[idxt_v.at[pl.ds(c * _CH, _CH)]],
                rows_v.at[buf],
                gsems[buf],
            ).wait()

        def put(c, buf):
            pltpu.async_copy(
                patch_v.at[buf, :, :, :, pl.ds(0, _BB)],
                out_hbm.at[pl.ds(c * _TT, _TT), :, wid, :, :],
                psems[buf],
            )

        def wait_put(c, buf):
            pltpu.make_async_copy(
                patch_v.at[buf, :, :, :, pl.ds(0, _BB)],
                out_hbm.at[pl.ds(c * _TT, _TT), :, wid, :, :],
                psems[buf],
            ).wait()

        def transpose(buf):
            bufv = jnp.full((16,), buf, jnp.int32)

            @plsc.parallel_loop(0, _CH, unroll=8)
            def _(r):
                rv = jnp.full((16,), 0, jnp.int32) + r
                ttv = rv >> 7
                jv = rv & 127
                for fg in range(_D // 16):
                    fvec = fg * 16 + lanes
                    vec = rows_v[buf, r, pl.ds(fg * 16, 16)]
                    plsc.store_scatter(
                        patch_v, [bufv, ttv, fvec >> 3, fvec & 7, jv], vec
                    )

        gather(0, 0)

        def body(grp, _):
            c = 2 * grp

            gather(c + 1, 1)
            wait_gather(c, 0)

            @pl.when(grp >= 1)
            def _():
                wait_put(c - 1, 1)

            transpose(0)
            put(c, 0)

            @pl.when(grp < n_groups - 1)
            def _():
                wait_put(c, 0)
                gather(c + 2, 0)

            wait_gather(c + 1, 1)
            transpose(1)
            put(c + 1, 1)
            return ()

        lax.fori_loop(0, n_groups, body, (), unroll=False)

        wait_put(n_chunks - 2, 0)
        wait_put(n_chunks - 1, 1)

    return k


def kernel(input, embeddings):
    idx = input.astype(jnp.int32).reshape(-1)
    info = plsc.get_sparse_core_info()
    nw = info.num_cores * info.num_subcores
    out5 = _build(nw, info.num_cores)(idx, embeddings)
    return out5.transpose(2, 4, 0, 1, 3).reshape(_BATCH, _HIST, _D)

# --- scband reference (transcript-rebuilt; emitter-appended) ---
"""Pipeline reference for scband-pretrained-embedding-15857019257386 (READ-ONLY COPY).

The authoritative reference and input builder live on the scoring server;
editing this copy changes nothing except your own understanding.
"""

import jax, jax.numpy as jnp
import numpy as np

VOCAB = 1000000
EMBED_DIM = 64
BATCH = 4096
HIST_LEN = 200

def setup_inputs(seed: int = 0) -> dict:
    key = jax.random.key(seed)
    k1, k2 = jax.random.split(key)
    input_ids = jax.random.randint(k1, (BATCH, HIST_LEN), 0, VOCAB, dtype=jnp.int64)
    embeddings = jax.random.normal(k2, (VOCAB, EMBED_DIM), dtype=jnp.float32)
    return {"input": input_ids, "embeddings": embeddings}

def reference(input, embeddings):
    # tf.nn.embedding_lookup(self.embeddings, input)
    out = jnp.take(embeddings, input, axis=0)
    return out

if __name__ == "__main__":
    import jax
    _d = setup_inputs()
    print(jax.jit(kernel)(*tuple(_d.values())))

</pallas_src>

<mosaic_0001>
#map = affine_map<(d0, d1) -> (0)>
#map1 = affine_map<(d0, d1) -> (0, 0)>
#map2 = affine_map<(d0, d1) -> (0, 0, 0, 0, 0)>
module attributes {stable_mosaic.version = 14 : i64} {
  func.func @k(%arg0: i32, %arg1: i32, %arg2: memref<819200xi32, #tpu.memory_space<hbm>>, %arg3: memref<1000000x64xf32, #tpu.memory_space<hbm>>, %arg4: memref<200x8x32x8x128xf32, #tpu.memory_space<hbm>>, %arg5: memref<25600xi32, #tpu.memory_space<vmem>>, %arg6: memref<25600xi32, #tpu.memory_space<vmem>>, %arg7: memref<2x256x64xf32, #tpu.memory_space<vmem>>, %arg8: memref<2x2x8x8x137xf32, #tpu.memory_space<vmem>>, %arg9: memref<!tpu.dma_semaphore, #tpu.memory_space<semaphore_mem>>, %arg10: memref<!tpu.dma_semaphore, #tpu.memory_space<semaphore_mem>>, %arg11: memref<!tpu.dma_semaphore, #tpu.memory_space<semaphore_mem>>, %arg12: memref<!tpu.dma_semaphore, #tpu.memory_space<semaphore_mem>>) attributes {dimension_semantics = [#tpu.dimension_semantics<core_parallel>, #tpu.dimension_semantics<subcore_parallel>], iteration_bounds = array<i64: 2, 16>, scalar_prefetch = 0 : i64, scratch_operands = 8 : i64, tpu.core_type = #tpu.core_type<sc_vector_subcore>, window_params = [{transform_indices = #map}, {transform_indices = #map1}, {transform_indices = #map2}]} {
    %mul3A = arith.constant 2 : i32
    %mul3A_0 = arith.muli %arg1, %mul3A : i32
    %add3A = arith.addi %mul3A_0, %arg0 : i32
    %mul3A_1 = arith.constant 128 : i32
    %mul3A_2 = arith.muli %add3A, %mul3A_1 : i32
    %iota3A = tpu.iota {dimensions = array<i32: 0>} : vector<16xi32>
    %mul3A_3 = arith.constant 200 : i32
    %mul3A_4 = arith.muli %mul3A_2, %mul3A_3 : i32
    "tpu.region"() ({
      %run_scoped3A = tpu.sem_alloc : memref<!tpu.dma_semaphore, #tpu.memory_space<semaphore_mem>>
      %dma_start3A_72 = tpu.memref_slice %arg2[%mul3A_4] : memref<819200xi32, #tpu.memory_space<hbm>> -> memref<25600xi32, #tpu.memory_space<hbm>>
      %dma_start3A_73 = tpu.memref_slice %arg2[%mul3A_4] : memref<819200xi32, #tpu.memory_space<hbm>> -> memref<25600xi32, #tpu.memory_space<hbm>>
      tpu.enqueue_dma source(%dma_start3A_73 : memref<25600xi32, #tpu.memory_space<hbm>>) target(%arg5 : memref<25600xi32, #tpu.memory_space<vmem>>) target_semaphore(%run_scoped3A : memref<!tpu.dma_semaphore, #tpu.memory_space<semaphore_mem>>)
      %dma_wait3A_74 = tpu.memref_slice %arg2[%mul3A_4] : memref<819200xi32, #tpu.memory_space<hbm>> -> memref<25600xi32, #tpu.memory_space<hbm>>
      %dma_wait3A_75 = tpu.memref_slice %arg2[%mul3A_4] : memref<819200xi32, #tpu.memory_space<hbm>> -> memref<25600xi32, #tpu.memory_space<hbm>>
      tpu.wait_dma2 semaphore(%run_scoped3A : memref<!tpu.dma_semaphore, #tpu.memory_space<semaphore_mem>>) src(%dma_wait3A_75 : memref<25600xi32, #tpu.memory_space<hbm>>) dst(%arg5 : memref<25600xi32, #tpu.memory_space<vmem>>)
      tpu.yield
    }) : () -> ()
    %scan3A = arith.constant 0 : i32
    %scan3A_5 = arith.constant 200 : i32
    %scan3A_6 = arith.addi %scan3A, %scan3A_5 : i32
    %scan3A_7 = arith.constant 1 : i32
    scf.for %scan3A_72 = %scan3A to %scan3A_6 step %scan3A_7  : i32 {
      %add3A_73 = arith.constant 0 : i32
      %add3A_74 = vector.broadcast %add3A_73 : i32 to vector<16xi32>
      %add3A_75 = arith.addi %add3A_74, %iota3A : vector<16xi32>
      %mul3A_76 = arith.constant 200 : i32
      %mul3A_77 = vector.broadcast %mul3A_76 : i32 to vector<16xi32>
      %mul3A_78 = arith.muli %add3A_75, %mul3A_77 : vector<16xi32>
      %add3A_79 = vector.broadcast %scan3A_72 : i32 to vector<16xi32>
      %add3A_80 = arith.addi %mul3A_78, %add3A_79 : vector<16xi32>
      %gather3A = tpu.vector_load_idx %arg5[%add3A_80] : memref<25600xi32, #tpu.memory_space<vmem>>[vector<16xi32>], vector<16xi32>,
      %mul3A_81 = arith.constant 128 : i32
      %mul3A_82 = arith.muli %scan3A_72, %mul3A_81 : i32
      %add3A_83 = arith.constant 0 : i32
      %add3A_84 = arith.addi %mul3A_82, %add3A_83 : i32
      %swap3A = arith.index_cast %add3A_84 : i32 to index
      %swap3A_85 = tpu.vector_load %arg6[%swap3A] {strides = array<i32>} : memref<25600xi32, #tpu.memory_space<vmem>>, vector<16xi32>,
      tpu.vector_store %arg6[%swap3A], %gather3A {strides = array<i32>} : memref<25600xi32, #tpu.memory_space<vmem>>, vector<16xi32>,
      %add3A_86 = arith.constant 16 : i32
      %add3A_87 = vector.broadcast %add3A_86 : i32 to vector<16xi32>
      %add3A_88 = arith.addi %add3A_87, %iota3A : vector<16xi32>
      %mul3A_89 = arith.constant 200 : i32
      %mul3A_90 = vector.broadcast %mul3A_89 : i32 to vector<16xi32>
      %mul3A_91 = arith.muli %add3A_88, %mul3A_90 : vector<16xi32>
      %add3A_92 = vector.broadcast %scan3A_72 : i32 to vector<16xi32>
      %add3A_93 = arith.addi %mul3A_91, %add3A_92 : vector<16xi32>
      %gather3A_94 = tpu.vector_load_idx %arg5[%add3A_93] : memref<25600xi32, #tpu.memory_space<vmem>>[vector<16xi32>], vector<16xi32>,
      %mul3A_95 = arith.constant 128 : i32
      %mul3A_96 = arith.muli %scan3A_72, %mul3A_95 : i32
      %add3A_97 = arith.constant 16 : i32
      %add3A_98 = arith.addi %mul3A_96, %add3A_97 : i32
      %swap3A_99 = arith.index_cast %add3A_98 : i32 to index
      %swap3A_100 = tpu.vector_load %arg6[%swap3A_99] {strides = array<i32>} : memref<25600xi32, #tpu.memory_space<vmem>>, vector<16xi32>,
      tpu.vector_store %arg6[%swap3A_99], %gather3A_94 {strides = array<i32>} : memref<25600xi32, #tpu.memory_space<vmem>>, vector<16xi32>,
      %add3A_101 = arith.constant 32 : i32
      %add3A_102 = vector.broadcast %add3A_101 : i32 to vector<16xi32>
      %add3A_103 = arith.addi %add3A_102, %iota3A : vector<16xi32>
      %mul3A_104 = arith.constant 200 : i32
      %mul3A_105 = vector.broadcast %mul3A_104 : i32 to vector<16xi32>
      %mul3A_106 = arith.muli %add3A_103, %mul3A_105 : vector<16xi32>
      %add3A_107 = vector.broadcast %scan3A_72 : i32 to vector<16xi32>
      %add3A_108 = arith.addi %mul3A_106, %add3A_107 : vector<16xi32>
      %gather3A_109 = tpu.vector_load_idx %arg5[%add3A_108] : memref<25600xi32, #tpu.memory_space<vmem>>[vector<16xi32>], vector<16xi32>,
      %mul3A_110 = arith.constant 128 : i32
      %mul3A_111 = arith.muli %scan3A_72, %mul3A_110 : i32
      %add3A_112 = arith.constant 32 : i32
      %add3A_113 = arith.addi %mul3A_111, %add3A_112 : i32
      %swap3A_114 = arith.index_cast %add3A_113 : i32 to index
      %swap3A_115 = tpu.vector_load %arg6[%swap3A_114] {strides = array<i32>} : memref<25600xi32, #tpu.memory_space<vmem>>, vector<16xi32>,
      tpu.vector_store %arg6[%swap3A_114], %gather3A_109 {strides = array<i32>} : memref<25600xi32, #tpu.memory_space<vmem>>, vector<16xi32>,
      %add3A_116 = arith.constant 48 : i32
      %add3A_117 = vector.broadcast %add3A_116 : i32 to vector<16xi32>
      %add3A_118 = arith.addi %add3A_117, %iota3A : vector<16xi32>
      %mul3A_119 = arith.constant 200 : i32
      %mul3A_120 = vector.broadcast %mul3A_119 : i32 to vector<16xi32>
      %mul3A_121 = arith.muli %add3A_118, %mul3A_120 : vector<16xi32>
      %add3A_122 = vector.broadcast %scan3A_72 : i32 to vector<16xi32>
      %add3A_123 = arith.addi %mul3A_121, %add3A_122 : vector<16xi32>
      %gather3A_124 = tpu.vector_load_idx %arg5[%add3A_123] : memref<25600xi32, #tpu.memory_space<vmem>>[vector<16xi32>], vector<16xi32>,
      %mul3A_125 = arith.constant 128 : i32
      %mul3A_126 = arith.muli %scan3A_72, %mul3A_125 : i32
      %add3A_127 = arith.constant 48 : i32
      %add3A_128 = arith.addi %mul3A_126, %add3A_127 : i32
      %swap3A_129 = arith.index_cast %add3A_128 : i32 to index
      %swap3A_130 = tpu.vector_load %arg6[%swap3A_129] {strides = array<i32>} : memref<25600xi32, #tpu.memory_space<vmem>>, vector<16xi32>,
      tpu.vector_store %arg6[%swap3A_129], %gather3A_124 {strides = array<i32>} : memref<25600xi32, #tpu.memory_space<vmem>>, vector<16xi32>,
      %add3A_131 = arith.constant 64 : i32
      %add3A_132 = vector.broadcast %add3A_131 : i32 to vector<16xi32>
      %add3A_133 = arith.addi %add3A_132, %iota3A : vector<16xi32>
      %mul3A_134 = arith.constant 200 : i32
      %mul3A_135 = vector.broadcast %mul3A_134 : i32 to vector<16xi32>
      %mul3A_136 = arith.muli %add3A_133, %mul3A_135 : vector<16xi32>
      %add3A_137 = vector.broadcast %scan3A_72 : i32 to vector<16xi32>
      %add3A_138 = arith.addi %mul3A_136, %add3A_137 : vector<16xi32>
      %gather3A_139 = tpu.vector_load_idx %arg5[%add3A_138] : memref<25600xi32, #tpu.memory_space<vmem>>[vector<16xi32>], vector<16xi32>,
      %mul3A_140 = arith.constant 128 : i32
      %mul3A_141 = arith.muli %scan3A_72, %mul3A_140 : i32
      %add3A_142 = arith.constant 64 : i32
      %add3A_143 = arith.addi %mul3A_141, %add3A_142 : i32
      %swap3A_144 = arith.index_cast %add3A_143 : i32 to index
      %swap3A_145 = tpu.vector_load %arg6[%swap3A_144] {strides = array<i32>} : memref<25600xi32, #tpu.memory_space<vmem>>, vector<16xi32>,
      tpu.vector_store %arg6[%swap3A_144], %gather3A_139 {strides = array<i32>} : memref<25600xi32, #tpu.memory_space<vmem>>, vector<16xi32>,
      %add3A_146 = arith.constant 80 : i32
      %add3A_147 = vector.broadcast %add3A_146 : i32 to vector<16xi32>
      %add3A_148 = arith.addi %add3A_147, %iota3A : vector<16xi32>
      %mul3A_149 = arith.constant 200 : i32
      %mul3A_150 = vector.broadcast %mul3A_149 : i32 to vector<16xi32>
      %mul3A_151 = arith.muli %add3A_148, %mul3A_150 : vector<16xi32>
      %add3A_152 = vector.broadcast %scan3A_72 : i32 to vector<16xi32>
      %add3A_153 = arith.addi %mul3A_151, %add3A_152 : vector<16xi32>
      %gather3A_154 = tpu.vector_load_idx %arg5[%add3A_153] : memref<25600xi32, #tpu.memory_space<vmem>>[vector<16xi32>], vector<16xi32>,
      %mul3A_155 = arith.constant 128 : i32
      %mul3A_156 = arith.muli %scan3A_72, %mul3A_155 : i32
      %add3A_157 = arith.constant 80 : i32
      %add3A_158 = arith.addi %mul3A_156, %add3A_157 : i32
      %swap3A_159 = arith.index_cast %add3A_158 : i32 to index
      %swap3A_160 = tpu.vector_load %arg6[%swap3A_159] {strides = array<i32>} : memref<25600xi32, #tpu.memory_space<vmem>>, vector<16xi32>,
      tpu.vector_store %arg6[%swap3A_159], %gather3A_154 {strides = array<i32>} : memref<25600xi32, #tpu.memory_space<vmem>>, vector<16xi32>,
      %add3A_161 = arith.constant 96 : i32
      %add3A_162 = vector.broadcast %add3A_161 : i32 to vector<16xi32>
      %add3A_163 = arith.addi %add3A_162, %iota3A : vector<16xi32>
      %mul3A_164 = arith.constant 200 : i32
      %mul3A_165 = vector.broadcast %mul3A_164 : i32 to vector<16xi32>
      %mul3A_166 = arith.muli %add3A_163, %mul3A_165 : vector<16xi32>
      %add3A_167 = vector.broadcast %scan3A_72 : i32 to vector<16xi32>
      %add3A_168 = arith.addi %mul3A_166, %add3A_167 : vector<16xi32>
      %gather3A_169 = tpu.vector_load_idx %arg5[%add3A_168] : memref<25600xi32, #tpu.memory_space<vmem>>[vector<16xi32>], vector<16xi32>,
      %mul3A_170 = arith.constant 128 : i32
      %mul3A_171 = arith.muli %scan3A_72, %mul3A_170 : i32
      %add3A_172 = arith.constant 96 : i32
      %add3A_173 = arith.addi %mul3A_171, %add3A_172 : i32
      %swap3A_174 = arith.index_cast %add3A_173 : i32 to index
      %swap3A_175 = tpu.vector_load %arg6[%swap3A_174] {strides = array<i32>} : memref<25600xi32, #tpu.memory_space<vmem>>, vector<16xi32>,
      tpu.vector_store %arg6[%swap3A_174], %gather3A_169 {strides = array<i32>} : memref<25600xi32, #tpu.memory_space<vmem>>, vector<16xi32>,
      %add3A_176 = arith.constant 112 : i32
      %add3A_177 = vector.broadcast %add3A_176 : i32 to vector<16xi32>
      %add3A_178 = arith.addi %add3A_177, %iota3A : vector<16xi32>
      %mul3A_179 = arith.constant 200 : i32
      %mul3A_180 = vector.broadcast %mul3A_179 : i32 to vector<16xi32>
      %mul3A_181 = arith.muli %add3A_178, %mul3A_180 : vector<16xi32>
      %add3A_182 = vector.broadcast %scan3A_72 : i32 to vector<16xi32>
      %add3A_183 = arith.addi %mul3A_181, %add3A_182 : vector<16xi32>
      %gather3A_184 = tpu.vector_load_idx %arg5[%add3A_183] : memref<25600xi32, #tpu.memory_space<vmem>>[vector<16xi32>], vector<16xi32>,
      %mul3A_185 = arith.constant 128 : i32
      %mul3A_186 = arith.muli %scan3A_72, %mul3A_185 : i32
      %add3A_187 = arith.constant 112 : i32
      %add3A_188 = arith.addi %mul3A_186, %add3A_187 : i32
      %swap3A_189 = arith.index_cast %add3A_188 : i32 to index
      %swap3A_190 = tpu.vector_load %arg6[%swap3A_189] {strides = array<i32>} : memref<25600xi32, #tpu.memory_space<vmem>>, vector<16xi32>,
      tpu.vector_store %arg6[%swap3A_189], %gather3A_184 {strides = array<i32>} : memref<25600xi32, #tpu.memory_space<vmem>>, vector<16xi32>,
    }
    %scan3A_8 = arith.constant 200 : i32
    %dma_start3A = arith.constant 0 : i32
    %dma_start3A_9 = arith.constant 0 : i32
    %dma_start3A_10 = arith.constant 0 : i32
    %dma_start3A_11 = tpu.memref_slice %arg7[%dma_start3A, %dma_start3A_9, %dma_start3A_10] : memref<2x256x64xf32, #tpu.memory_space<vmem>> -> memref<1x256x64xf32, #tpu.memory_space<vmem>>
    %dma_start3A_12 = tpu.memref_squeeze %dma_start3A_11 : memref<1x256x64xf32, #tpu.memory_space<vmem>> -> memref<256x64xf32, #tpu.memory_space<vmem>>
    %dma_start3A_13 = arith.constant 0 : i32
    %dma_start3A_14 = tpu.memref_slice %arg6[%dma_start3A_13] : memref<25600xi32, #tpu.memory_space<vmem>> -> memref<256xi32, #tpu.memory_space<vmem>>
    %dma_start3A_15 = arith.constant 0 : i32
    %dma_start3A_16 = arith.constant 0 : i32
    %dma_start3A_17 = tpu.memref_slice %arg3[%dma_start3A_15, %dma_start3A_16] : memref<1000000x64xf32, #tpu.memory_space<hbm>> -> memref<1000000x64xf32, #tpu.memory_space<hbm>>
    tpu.enqueue_indirect_dma source(%dma_start3A_17 : memref<1000000x64xf32, #tpu.memory_space<hbm>>) target(%dma_start3A_12 : memref<256x64xf32, #tpu.memory_space<vmem>>) offsets(%dma_start3A_14 : memref<256xi32, #tpu.memory_space<vmem>>) semaphore(%arg9 : memref<!tpu.dma_semaphore, #tpu.memory_space<semaphore_mem>>)
    %scan3A_18 = arith.constant 0 : i32
    %scan3A_19 = arith.constant 50 : i32
    %scan3A_20 = arith.addi %scan3A_18, %scan3A_19 : i32
    %scan3A_21 = arith.constant 1 : i32
    scf.for %scan3A_72 = %scan3A_18 to %scan3A_20 step %scan3A_21  : i32 {
      %mul3A_73 = arith.constant 2 : i32
      %mul3A_74 = arith.muli %mul3A_73, %scan3A_72 : i32
      %add3A_75 = arith.constant 1 : i32
      %add3A_76 = arith.addi %mul3A_74, %add3A_75 : i32
      %mul3A_77 = arith.constant 256 : i32
      %mul3A_78 = arith.muli %add3A_76, %mul3A_77 : i32
      %dma_start3A_79 = arith.constant 1 : i32
      %dma_start3A_80 = arith.constant 0 : i32
      %dma_start3A_81 = arith.constant 0 : i32
      %dma_start3A_82 = tpu.memref_slice %arg7[%dma_start3A_79, %dma_start3A_80, %dma_start3A_81] : memref<2x256x64xf32, #tpu.memory_space<vmem>> -> memref<1x256x64xf32, #tpu.memory_space<vmem>>
      %dma_start3A_83 = tpu.memref_squeeze %dma_start3A_82 : memref<1x256x64xf32, #tpu.memory_space<vmem>> -> memref<256x64xf32, #tpu.memory_space<vmem>>
      %dma_start3A_84 = tpu.memref_slice %arg6[%mul3A_78] : memref<25600xi32, #tpu.memory_space<vmem>> -> memref<256xi32, #tpu.memory_space<vmem>>
      %dma_start3A_85 = arith.constant 0 : i32
      %dma_start3A_86 = arith.constant 0 : i32
      %dma_start3A_87 = tpu.memref_slice %arg3[%dma_start3A_85, %dma_start3A_86] : memref<1000000x64xf32, #tpu.memory_space<hbm>> -> memref<1000000x64xf32, #tpu.memory_space<hbm>>
      tpu.enqueue_indirect_dma source(%dma_start3A_87 : memref<1000000x64xf32, #tpu.memory_space<hbm>>) target(%dma_start3A_83 : memref<256x64xf32, #tpu.memory_space<vmem>>) offsets(%dma_start3A_84 : memref<256xi32, #tpu.memory_space<vmem>>) semaphore(%arg10 : memref<!tpu.dma_semaphore, #tpu.memory_space<semaphore_mem>>)
      %mul3A_88 = arith.constant 256 : i32
      %mul3A_89 = arith.muli %mul3A_74, %mul3A_88 : i32
      %dma_wait3A_90 = arith.constant 0 : i32
      %dma_wait3A_91 = arith.constant 0 : i32
      %dma_wait3A_92 = arith.constant 0 : i32
      %dma_wait3A_93 = tpu.memref_slice %arg7[%dma_wait3A_90, %dma_wait3A_91, %dma_wait3A_92] : memref<2x256x64xf32, #tpu.memory_space<vmem>> -> memref<1x256x64xf32, #tpu.memory_space<vmem>>
      %dma_wait3A_94 = tpu.memref_squeeze %dma_wait3A_93 : memref<1x256x64xf32, #tpu.memory_space<vmem>> -> memref<256x64xf32, #tpu.memory_space<vmem>>
      %dma_wait3A_95 = tpu.memref_slice %arg6[%mul3A_89] : memref<25600xi32, #tpu.memory_space<vmem>> -> memref<256xi32, #tpu.memory_space<vmem>>
      %dma_wait3A_96 = arith.constant 0 : i32
      %dma_wait3A_97 = arith.constant 0 : i32
      %dma_wait3A_98 = tpu.memref_slice %arg3[%dma_wait3A_96, %dma_wait3A_97] : memref<1000000x64xf32, #tpu.memory_space<hbm>> -> memref<1000000x64xf32, #tpu.memory_space<hbm>>
      tpu.wait_indirect_dma semaphore(%arg9 : memref<!tpu.dma_semaphore, #tpu.memory_space<semaphore_mem>>) src(%dma_wait3A_98 : memref<1000000x64xf32, #tpu.memory_space<hbm>>) dst(%dma_wait3A_94 : memref<256x64xf32, #tpu.memory_space<vmem>>)
      %ge3A = arith.constant 1 : i32
      %ge3A_99 = arith.cmpi sge, %scan3A_72, %ge3A : i32
      %convert_element_type3A = arith.extui %ge3A_99 : i1 to i32
      %cond3A = arith.constant 0 : i32
      %cond3A_100 = arith.cmpi ne, %convert_element_type3A, %cond3A : i32
      scf.if %cond3A_100 {
        %sub3A = arith.constant 1 : i32
        %sub3A_178 = arith.subi %mul3A_74, %sub3A : i32
        %mul3A_179 = arith.constant 2 : i32
        %mul3A_180 = arith.muli %sub3A_178, %mul3A_179 : i32
        %dma_wait3A_181 = arith.constant 1 : i32
        %dma_wait3A_182 = arith.constant 0 : i32
        %dma_wait3A_183 = arith.constant 0 : i32
        %dma_wait3A_184 = arith.constant 0 : i32
        %dma_wait3A_185 = arith.constant 0 : i32
        %dma_wait3A_186 = tpu.memref_slice %arg8[%dma_wait3A_181, %dma_wait3A_182, %dma_wait3A_183, %dma_wait3A_184, %dma_wait3A_185] : memref<2x2x8x8x137xf32, #tpu.memory_space<vmem>> -> memref<1x2x8x8x128xf32, #tpu.memory_space<vmem>>
        %dma_wait3A_187 = tpu.memref_squeeze %dma_wait3A_186 : memref<1x2x8x8x128xf32, #tpu.memory_space<vmem>> -> memref<2x8x8x128xf32, #tpu.memory_space<vmem>>
        %dma_wait3A_188 = arith.constant 0 : i32
        %dma_wait3A_189 = arith.constant 0 : i32
        %dma_wait3A_190 = arith.constant 0 : i32
        %dma_wait3A_191 = tpu.memref_slice %arg4[%mul3A_180, %dma_wait3A_188, %add3A, %dma_wait3A_189, %dma_wait3A_190] : memref<200x8x32x8x128xf32, #tpu.memory_space<hbm>> -> memref<2x8x1x8x128xf32, #tpu.memory_space<hbm>>
        %dma_wait3A_192 = tpu.memref_squeeze %dma_wait3A_191 : memref<2x8x1x8x128xf32, #tpu.memory_space<hbm>> -> memref<2x8x8x128xf32, #tpu.memory_space<hbm>>
        %dma_wait3A_193 = arith.constant 0 : i32
        %dma_wait3A_194 = arith.constant 0 : i32
        %dma_wait3A_195 = arith.constant 0 : i32
        %dma_wait3A_196 = tpu.memref_slice %arg4[%mul3A_180, %dma_wait3A_193, %add3A, %dma_wait3A_194, %dma_wait3A_195] : memref<200x8x32x8x128xf32, #tpu.memory_space<hbm>> -> memref<2x8x1x8x128xf32, #tpu.memory_space<hbm>>
        %dma_wait3A_197 = tpu.memref_squeeze %dma_wait3A_196 : memref<2x8x1x8x128xf32, #tpu.memory_space<hbm>> -> memref<2x8x8x128xf32, #tpu.memory_space<hbm>>
        %dma_wait3A_198 = arith.constant 0 : i32
        %dma_wait3A_199 = arith.constant 0 : i32
        %dma_wait3A_200 = arith.constant 0 : i32
        %dma_wait3A_201 = arith.constant 0 : i32
        %dma_wait3A_202 = tpu.memref_slice %arg8[%dma_wait3A_181, %dma_wait3A_198, %dma_wait3A_199, %dma_wait3A_200, %dma_wait3A_201] : memref<2x2x8x8x137xf32, #tpu.memory_space<vmem>> -> memref<1x2x8x8x128xf32, #tpu.memory_space<vmem>>
        %dma_wait3A_203 = tpu.memref_squeeze %dma_wait3A_202 : memref<1x2x8x8x128xf32, #tpu.memory_space<vmem>> -> memref<2x8x8x128xf32, #tpu.memory_space<vmem>>
        tpu.wait_dma2 semaphore(%arg12 : memref<!tpu.dma_semaphore, #tpu.memory_space<semaphore_mem>>) src(%dma_wait3A_203 : memref<2x8x8x128xf32, #tpu.memory_space<vmem>>) dst(%dma_wait3A_197 : memref<2x8x8x128xf32, #tpu.memory_space<hbm>>)
      } else {
      }
      %broadcast_in_dim3A = arith.constant 0 : i32
      %broadcast_in_dim3A_101 = vector.broadcast %broadcast_in_dim3A : i32 to vector<16xi32>
      %parallel_loop3A = arith.constant 0 : i32
      %parallel_loop3A_102 = arith.constant 256 : i32
      %parallel_loop3A_103 = arith.constant 1 : i32
      scf.for %parallel_loop3A_178 = %parallel_loop3A to %parallel_loop3A_102 step %parallel_loop3A_103  : i32 {
        %parallel_loop3A_179 = arith.constant 0 : i32
        %parallel_loop3A_180 = vector.broadcast %parallel_loop3A_179 : i32 to vector<16xi32>
        %parallel_loop3A_181 = vector.broadcast %parallel_loop3A_178 : i32 to vector<16xi32>
        %parallel_loop3A_182 = arith.addi %parallel_loop3A_180, %parallel_loop3A_181 : vector<16xi32>
        %parallel_loop3A_183 = arith.constant 7 : i32
        %parallel_loop3A_184 = vector.broadcast %parallel_loop3A_183 : i32 to vector<16xi32>
        %parallel_loop3A_185 = arith.shrsi %parallel_loop3A_182, %parallel_loop3A_184 : vector<16xi32>
        %parallel_loop3A_186 = arith.constant 127 : i32
        %parallel_loop3A_187 = vector.broadcast %parallel_loop3A_186 : i32 to vector<16xi32>
        %parallel_loop3A_188 = arith.andi %parallel_loop3A_182, %parallel_loop3A_187 : vector<16xi32>
        %parallel_loop3A_189 = arith.constant 0 : i32
        %parallel_loop3A_190 = vector.broadcast %parallel_loop3A_189 : i32 to vector<16xi32>
        %parallel_loop3A_191 = arith.addi %parallel_loop3A_190, %iota3A : vector<16xi32>
        %parallel_loop3A_192 = arith.constant 0 : i32
        %parallel_loop3A_193 = arith.index_cast %parallel_loop3A_192 : i32 to index
        %parallel_loop3A_194 = arith.index_cast %parallel_loop3A_178 : i32 to index
        %parallel_loop3A_195 = arith.constant 0 : index
        %parallel_loop3A_196 = tpu.vector_load %arg7[%parallel_loop3A_193, %parallel_loop3A_194, %parallel_loop3A_195] {strides = array<i32>} : memref<2x256x64xf32, #tpu.memory_space<vmem>>, vector<16xf32>,
        %parallel_loop3A_197 = arith.constant 3 : i32
        %parallel_loop3A_198 = vector.broadcast %parallel_loop3A_197 : i32 to vector<16xi32>
        %parallel_loop3A_199 = arith.shrsi %parallel_loop3A_191, %parallel_loop3A_198 : vector<16xi32>
        %parallel_loop3A_200 = arith.constant 7 : i32
        %parallel_loop3A_201 = vector.broadcast %parallel_loop3A_200 : i32 to vector<16xi32>
        %parallel_loop3A_202 = arith.andi %parallel_loop3A_191, %parallel_loop3A_201 : vector<16xi32>
        tpu.vector_store_idx %arg8[%broadcast_in_dim3A_101, %parallel_loop3A_185, %parallel_loop3A_199, %parallel_loop3A_202, %parallel_loop3A_188], %parallel_loop3A_196 : memref<2x2x8x8x137xf32, #tpu.memory_space<vmem>>[vector<16xi32>, vector<16xi32>, vector<16xi32>, vector<16xi32>, vector<16xi32>], vector<16xf32>,
        %parallel_loop3A_203 = arith.constant 16 : i32
        %parallel_loop3A_204 = vector.broadcast %parallel_loop3A_203 : i32 to vector<16xi32>
        %parallel_loop3A_205 = arith.addi %parallel_loop3A_204, %iota3A : vector<16xi32>
        %parallel_loop3A_206 = arith.constant 0 : i32
        %parallel_loop3A_207 = arith.index_cast %parallel_loop3A_206 : i32 to index
        %parallel_loop3A_208 = arith.index_cast %parallel_loop3A_178 : i32 to index
        %parallel_loop3A_209 = arith.constant 16 : index
        %parallel_loop3A_210 = tpu.vector_load %arg7[%parallel_loop3A_207, %parallel_loop3A_208, %parallel_loop3A_209] {strides = array<i32>} : memref<2x256x64xf32, #tpu.memory_space<vmem>>, vector<16xf32>,
        %parallel_loop3A_211 = arith.constant 3 : i32
        %parallel_loop3A_212 = vector.broadcast %parallel_loop3A_211 : i32 to vector<16xi32>
        %parallel_loop3A_213 = arith.shrsi %parallel_loop3A_205, %parallel_loop3A_212 : vector<16xi32>
        %parallel_loop3A_214 = arith.constant 7 : i32
        %parallel_loop3A_215 = vector.broadcast %parallel_loop3A_214 : i32 to vector<16xi32>
        %parallel_loop3A_216 = arith.andi %parallel_loop3A_205, %parallel_loop3A_215 : vector<16xi32>
        tpu.vector_store_idx %arg8[%broadcast_in_dim3A_101, %parallel_loop3A_185, %parallel_loop3A_213, %parallel_loop3A_216, %parallel_loop3A_188], %parallel_loop3A_210 : memref<2x2x8x8x137xf32, #tpu.memory_space<vmem>>[vector<16xi32>, vector<16xi32>, vector<16xi32>, vector<16xi32>, vector<16xi32>], vector<16xf32>,
        %parallel_loop3A_217 = arith.constant 32 : i32
        %parallel_loop3A_218 = vector.broadcast %parallel_loop3A_217 : i32 to vector<16xi32>
        %parallel_loop3A_219 = arith.addi %parallel_loop3A_218, %iota3A : vector<16xi32>
        %parallel_loop3A_220 = arith.constant 0 : i32
        %parallel_loop3A_221 = arith.index_cast %parallel_loop3A_220 : i32 to index
        %parallel_loop3A_222 = arith.index_cast %parallel_loop3A_178 : i32 to index
        %parallel_loop3A_223 = arith.constant 32 : index
        %parallel_loop3A_224 = tpu.vector_load %arg7[%parallel_loop3A_221, %parallel_loop3A_222, %parallel_loop3A_223] {strides = array<i32>} : memref<2x256x64xf32, #tpu.memory_space<vmem>>, vector<16xf32>,
        %parallel_loop3A_225 = arith.constant 3 : i32
        %parallel_loop3A_226 = vector.broadcast %parallel_loop3A_225 : i32 to vector<16xi32>
        %parallel_loop3A_227 = arith.shrsi %parallel_loop3A_219, %parallel_loop3A_226 : vector<16xi32>
        %parallel_loop3A_228 = arith.constant 7 : i32
        %parallel_loop3A_229 = vector.broadcast %parallel_loop3A_228 : i32 to vector<16xi32>
        %parallel_loop3A_230 = arith.andi %parallel_loop3A_219, %parallel_loop3A_229 : vector<16xi32>
        tpu.vector_store_idx %arg8[%broadcast_in_dim3A_101, %parallel_loop3A_185, %parallel_loop3A_227, %parallel_loop3A_230, %parallel_loop3A_188], %parallel_loop3A_224 : memref<2x2x8x8x137xf32, #tpu.memory_space<vmem>>[vector<16xi32>, vector<16xi32>, vector<16xi32>, vector<16xi32>, vector<16xi32>], vector<16xf32>,
        %parallel_loop3A_231 = arith.constant 48 : i32
        %parallel_loop3A_232 = vector.broadcast %parallel_loop3A_231 : i32 to vector<16xi32>
        %parallel_loop3A_233 = arith.addi %parallel_loop3A_232, %iota3A : vector<16xi32>
        %parallel_loop3A_234 = arith.constant 0 : i32
        %parallel_loop3A_235 = arith.index_cast %parallel_loop3A_234 : i32 to index
        %parallel_loop3A_236 = arith.index_cast %parallel_loop3A_178 : i32 to index
        %parallel_loop3A_237 = arith.constant 48 : index
        %parallel_loop3A_238 = tpu.vector_load %arg7[%parallel_loop3A_235, %parallel_loop3A_236, %parallel_loop3A_237] {strides = array<i32>} : memref<2x256x64xf32, #tpu.memory_space<vmem>>, vector<16xf32>,
        %parallel_loop3A_239 = arith.constant 3 : i32
        %parallel_loop3A_240 = vector.broadcast %parallel_loop3A_239 : i32 to vector<16xi32>
        %parallel_loop3A_241 = arith.shrsi %parallel_loop3A_233, %parallel_loop3A_240 : vector<16xi32>
        %parallel_loop3A_242 = arith.constant 7 : i32
        %parallel_loop3A_243 = vector.broadcast %parallel_loop3A_242 : i32 to vector<16xi32>
        %parallel_loop3A_244 = arith.andi %parallel_loop3A_233, %parallel_loop3A_243 : vector<16xi32>
        tpu.vector_store_idx %arg8[%broadcast_in_dim3A_101, %parallel_loop3A_185, %parallel_loop3A_241, %parallel_loop3A_244, %parallel_loop3A_188], %parallel_loop3A_238 : memref<2x2x8x8x137xf32, #tpu.memory_space<vmem>>[vector<16xi32>, vector<16xi32>, vector<16xi32>, vector<16xi32>, vector<16xi32>], vector<16xf32>,
      } {sc.loop_unroll_factor = 8 : i64, sc.parallel_access}
      %mul3A_104 = arith.constant 2 : i32
      %mul3A_105 = arith.muli %mul3A_74, %mul3A_104 : i32
      %dma_start3A_106 = arith.constant 0 : i32
      %dma_start3A_107 = arith.constant 0 : i32
      %dma_start3A_108 = arith.constant 0 : i32
      %dma_start3A_109 = arith.constant 0 : i32
      %dma_start3A_110 = arith.constant 0 : i32
      %dma_start3A_111 = tpu.memref_slice %arg8[%dma_start3A_106, %dma_start3A_107, %dma_start3A_108, %dma_start3A_109, %dma_start3A_110] : memref<2x2x8x8x137xf32, #tpu.memory_space<vmem>> -> memref<1x2x8x8x128xf32, #tpu.memory_space<vmem>>
      %dma_start3A_112 = tpu.memref_squeeze %dma_start3A_111 : memref<1x2x8x8x128xf32, #tpu.memory_space<vmem>> -> memref<2x8x8x128xf32, #tpu.memory_space<vmem>>
      %dma_start3A_113 = arith.constant 0 : i32
      %dma_start3A_114 = arith.constant 0 : i32
      %dma_start3A_115 = arith.constant 0 : i32
      %dma_start3A_116 = tpu.memref_slice %arg4[%mul3A_105, %dma_start3A_113, %add3A, %dma_start3A_114, %dma_start3A_115] : memref<200x8x32x8x128xf32, #tpu.memory_space<hbm>> -> memref<2x8x1x8x128xf32, #tpu.memory_space<hbm>>
      %dma_start3A_117 = tpu.memref_squeeze %dma_start3A_116 : memref<2x8x1x8x128xf32, #tpu.memory_space<hbm>> -> memref<2x8x8x128xf32, #tpu.memory_space<hbm>>
      %dma_start3A_118 = arith.constant 0 : i32
      %dma_start3A_119 = arith.constant 0 : i32
      %dma_start3A_120 = arith.constant 0 : i32
      %dma_start3A_121 = tpu.memref_slice %arg4[%mul3A_105, %dma_start3A_118, %add3A, %dma_start3A_119, %dma_start3A_120] : memref<200x8x32x8x128xf32, #tpu.memory_space<hbm>> -> memref<2x8x1x8x128xf32, #tpu.memory_space<hbm>>
      %dma_start3A_122 = tpu.memref_squeeze %dma_start3A_121 : memref<2x8x1x8x128xf32, #tpu.memory_space<hbm>> -> memref<2x8x8x128xf32, #tpu.memory_space<hbm>>
      %dma_start3A_123 = arith.constant 0 : i32
      %dma_start3A_124 = arith.constant 0 : i32
      %dma_start3A_125 = arith.constant 0 : i32
      %dma_start3A_126 = arith.constant 0 : i32
      %dma_start3A_127 = tpu.memref_slice %arg8[%dma_start3A_106, %dma_start3A_123, %dma_start3A_124, %dma_start3A_125, %dma_start3A_126] : memref<2x2x8x8x137xf32, #tpu.memory_space<vmem>> -> memref<1x2x8x8x128xf32, #tpu.memory_space<vmem>>
      %dma_start3A_128 = tpu.memref_squeeze %dma_start3A_127 : memref<1x2x8x8x128xf32, #tpu.memory_space<vmem>> -> memref<2x8x8x128xf32, #tpu.memory_space<vmem>>
      tpu.enqueue_dma source(%dma_start3A_128 : memref<2x8x8x128xf32, #tpu.memory_space<vmem>>) target(%dma_start3A_122 : memref<2x8x8x128xf32, #tpu.memory_space<hbm>>) target_semaphore(%arg11 : memref<!tpu.dma_semaphore, #tpu.memory_space<semaphore_mem>>)
      %lt3A = arith.constant 49 : i32
      %lt3A_129 = arith.cmpi slt, %scan3A_72, %lt3A : i32
      %convert_element_type3A_130 = arith.extui %lt3A_129 : i1 to i32
      %cond3A_131 = arith.constant 0 : i32
      %cond3A_132 = arith.cmpi ne, %convert_element_type3A_130, %cond3A_131 : i32
      scf.if %cond3A_132 {
        %mul3A_178 = arith.constant 2 : i32
        %mul3A_179 = arith.muli %mul3A_74, %mul3A_178 : i32
        %dma_wait3A_180 = arith.constant 0 : i32
        %dma_wait3A_181 = arith.constant 0 : i32
        %dma_wait3A_182 = arith.constant 0 : i32
        %dma_wait3A_183 = arith.constant 0 : i32
        %dma_wait3A_184 = arith.constant 0 : i32
        %dma_wait3A_185 = tpu.memref_slice %arg8[%dma_wait3A_180, %dma_wait3A_181, %dma_wait3A_182, %dma_wait3A_183, %dma_wait3A_184] : memref<2x2x8x8x137xf32, #tpu.memory_space<vmem>> -> memref<1x2x8x8x128xf32, #tpu.memory_space<vmem>>
        %dma_wait3A_186 = tpu.memref_squeeze %dma_wait3A_185 : memref<1x2x8x8x128xf32, #tpu.memory_space<vmem>> -> memref<2x8x8x128xf32, #tpu.memory_space<vmem>>
        %dma_wait3A_187 = arith.constant 0 : i32
        %dma_wait3A_188 = arith.constant 0 : i32
        %dma_wait3A_189 = arith.constant 0 : i32
        %dma_wait3A_190 = tpu.memref_slice %arg4[%mul3A_179, %dma_wait3A_187, %add3A, %dma_wait3A_188, %dma_wait3A_189] : memref<200x8x32x8x128xf32, #tpu.memory_space<hbm>> -> memref<2x8x1x8x128xf32, #tpu.memory_space<hbm>>
        %dma_wait3A_191 = tpu.memref_squeeze %dma_wait3A_190 : memref<2x8x1x8x128xf32, #tpu.memory_space<hbm>> -> memref<2x8x8x128xf32, #tpu.memory_space<hbm>>
        %dma_wait3A_192 = arith.constant 0 : i32
        %dma_wait3A_193 = arith.constant 0 : i32
        %dma_wait3A_194 = arith.constant 0 : i32
        %dma_wait3A_195 = tpu.memref_slice %arg4[%mul3A_179, %dma_wait3A_192, %add3A, %dma_wait3A_193, %dma_wait3A_194] : memref<200x8x32x8x128xf32, #tpu.memory_space<hbm>> -> memref<2x8x1x8x128xf32, #tpu.memory_space<hbm>>
        %dma_wait3A_196 = tpu.memref_squeeze %dma_wait3A_195 : memref<2x8x1x8x128xf32, #tpu.memory_space<hbm>> -> memref<2x8x8x128xf32, #tpu.memory_space<hbm>>
        %dma_wait3A_197 = arith.constant 0 : i32
        %dma_wait3A_198 = arith.constant 0 : i32
        %dma_wait3A_199 = arith.constant 0 : i32
        %dma_wait3A_200 = arith.constant 0 : i32
        %dma_wait3A_201 = tpu.memref_slice %arg8[%dma_wait3A_180, %dma_wait3A_197, %dma_wait3A_198, %dma_wait3A_199, %dma_wait3A_200] : memref<2x2x8x8x137xf32, #tpu.memory_space<vmem>> -> memref<1x2x8x8x128xf32, #tpu.memory_space<vmem>>
        %dma_wait3A_202 = tpu.memref_squeeze %dma_wait3A_201 : memref<1x2x8x8x128xf32, #tpu.memory_space<vmem>> -> memref<2x8x8x128xf32, #tpu.memory_space<vmem>>
        tpu.wait_dma2 semaphore(%arg11 : memref<!tpu.dma_semaphore, #tpu.memory_space<semaphore_mem>>) src(%dma_wait3A_202 : memref<2x8x8x128xf32, #tpu.memory_space<vmem>>) dst(%dma_wait3A_196 : memref<2x8x8x128xf32, #tpu.memory_space<hbm>>)
        %add3A_203 = arith.constant 2 : i32
        %add3A_204 = arith.addi %mul3A_74, %add3A_203 : i32
        %mul3A_205 = arith.constant 256 : i32
        %mul3A_206 = arith.muli %add3A_204, %mul3A_205 : i32
        %dma_start3A_207 = arith.constant 0 : i32
        %dma_start3A_208 = arith.constant 0 : i32
        %dma_start3A_209 = arith.constant 0 : i32
        %dma_start3A_210 = tpu.memref_slice %arg7[%dma_start3A_207, %dma_start3A_208, %dma_start3A_209] : memref<2x256x64xf32, #tpu.memory_space<vmem>> -> memref<1x256x64xf32, #tpu.memory_space<vmem>>
        %dma_start3A_211 = tpu.memref_squeeze %dma_start3A_210 : memref<1x256x64xf32, #tpu.memory_space<vmem>> -> memref<256x64xf32, #tpu.memory_space<vmem>>
        %dma_start3A_212 = tpu.memref_slice %arg6[%mul3A_206] : memref<25600xi32, #tpu.memory_space<vmem>> -> memref<256xi32, #tpu.memory_space<vmem>>
        %dma_start3A_213 = arith.constant 0 : i32
        %dma_start3A_214 = arith.constant 0 : i32
        %dma_start3A_215 = tpu.memref_slice %arg3[%dma_start3A_213, %dma_start3A_214] : memref<1000000x64xf32, #tpu.memory_space<hbm>> -> memref<1000000x64xf32, #tpu.memory_space<hbm>>
        tpu.enqueue_indirect_dma source(%dma_start3A_215 : memref<1000000x64xf32, #tpu.memory_space<hbm>>) target(%dma_start3A_211 : memref<256x64xf32, #tpu.memory_space<vmem>>) offsets(%dma_start3A_212 : memref<256xi32, #tpu.memory_space<vmem>>) semaphore(%arg9 : memref<!tpu.dma_semaphore, #tpu.memory_space<semaphore_mem>>)
      } else {
      }
      %add3A_133 = arith.constant 1 : i32
      %add3A_134 = arith.addi %mul3A_74, %add3A_133 : i32
      %mul3A_135 = arith.constant 256 : i32
      %mul3A_136 = arith.muli %add3A_134, %mul3A_135 : i32
      %dma_wait3A_137 = arith.constant 1 : i32
      %dma_wait3A_138 = arith.constant 0 : i32
      %dma_wait3A_139 = arith.constant 0 : i32
      %dma_wait3A_140 = tpu.memref_slice %arg7[%dma_wait3A_137, %dma_wait3A_138, %dma_wait3A_139] : memref<2x256x64xf32, #tpu.memory_space<vmem>> -> memref<1x256x64xf32, #tpu.memory_space<vmem>>
      %dma_wait3A_141 = tpu.memref_squeeze %dma_wait3A_140 : memref<1x256x64xf32, #tpu.memory_space<vmem>> -> memref<256x64xf32, #tpu.memory_space<vmem>>
      %dma_wait3A_142 = tpu.memref_slice %arg6[%mul3A_136] : memref<25600xi32, #tpu.memory_space<vmem>> -> memref<256xi32, #tpu.memory_space<vmem>>
      %dma_wait3A_143 = arith.constant 0 : i32
      %dma_wait3A_144 = arith.constant 0 : i32
      %dma_wait3A_145 = tpu.memref_slice %arg3[%dma_wait3A_143, %dma_wait3A_144] : memref<1000000x64xf32, #tpu.memory_space<hbm>> -> memref<1000000x64xf32, #tpu.memory_space<hbm>>
      tpu.wait_indirect_dma semaphore(%arg10 : memref<!tpu.dma_semaphore, #tpu.memory_space<semaphore_mem>>) src(%dma_wait3A_145 : memref<1000000x64xf32, #tpu.memory_space<hbm>>) dst(%dma_wait3A_141 : memref<256x64xf32, #tpu.memory_space<vmem>>)
      %broadcast_in_dim3A_146 = arith.constant 1 : i32
      %broadcast_in_dim3A_147 = vector.broadcast %broadcast_in_dim3A_146 : i32 to vector<16xi32>
      %parallel_loop3A_148 = arith.constant 0 : i32
      %parallel_loop3A_149 = arith.constant 256 : i32
      %parallel_loop3A_150 = arith.constant 1 : i32
      scf.for %parallel_loop3A_178 = %parallel_loop3A_148 to %parallel_loop3A_149 step %parallel_loop3A_150  : i32 {
        %parallel_loop3A_179 = arith.constant 0 : i32
        %parallel_loop3A_180 = vector.broadcast %parallel_loop3A_179 : i32 to vector<16xi32>
        %parallel_loop3A_181 = vector.broadcast %parallel_loop3A_178 : i32 to vector<16xi32>
        %parallel_loop3A_182 = arith.addi %parallel_loop3A_180, %parallel_loop3A_181 : vector<16xi32>
        %parallel_loop3A_183 = arith.constant 7 : i32
        %parallel_loop3A_184 = vector.broadcast %parallel_loop3A_183 : i32 to vector<16xi32>
        %parallel_loop3A_185 = arith.shrsi %parallel_loop3A_182, %parallel_loop3A_184 : vector<16xi32>
        %parallel_loop3A_186 = arith.constant 127 : i32
        %parallel_loop3A_187 = vector.broadcast %parallel_loop3A_186 : i32 to vector<16xi32>
        %parallel_loop3A_188 = arith.andi %parallel_loop3A_182, %parallel_loop3A_187 : vector<16xi32>
        %parallel_loop3A_189 = arith.constant 0 : i32
        %parallel_loop3A_190 = vector.broadcast %parallel_loop3A_189 : i32 to vector<16xi32>
        %parallel_loop3A_191 = arith.addi %parallel_loop3A_190, %iota3A : vector<16xi32>
        %parallel_loop3A_192 = arith.constant 1 : i32
        %parallel_loop3A_193 = arith.index_cast %parallel_loop3A_192 : i32 to index
        %parallel_loop3A_194 = arith.index_cast %parallel_loop3A_178 : i32 to index
        %parallel_loop3A_195 = arith.constant 0 : index
        %parallel_loop3A_196 = tpu.vector_load %arg7[%parallel_loop3A_193, %parallel_loop3A_194, %parallel_loop3A_195] {strides = array<i32>} : memref<2x256x64xf32, #tpu.memory_space<vmem>>, vector<16xf32>,
        %parallel_loop3A_197 = arith.constant 3 : i32
        %parallel_loop3A_198 = vector.broadcast %parallel_loop3A_197 : i32 to vector<16xi32>
        %parallel_loop3A_199 = arith.shrsi %parallel_loop3A_191, %parallel_loop3A_198 : vector<16xi32>
        %parallel_loop3A_200 = arith.constant 7 : i32
        %parallel_loop3A_201 = vector.broadcast %parallel_loop3A_200 : i32 to vector<16xi32>
        %parallel_loop3A_202 = arith.andi %parallel_loop3A_191, %parallel_loop3A_201 : vector<16xi32>
        tpu.vector_store_idx %arg8[%broadcast_in_dim3A_147, %parallel_loop3A_185, %parallel_loop3A_199, %parallel_loop3A_202, %parallel_loop3A_188], %parallel_loop3A_196 : memref<2x2x8x8x137xf32, #tpu.memory_space<vmem>>[vector<16xi32>, vector<16xi32>, vector<16xi32>, vector<16xi32>, vector<16xi32>], vector<16xf32>,
        %parallel_loop3A_203 = arith.constant 16 : i32
        %parallel_loop3A_204 = vector.broadcast %parallel_loop3A_203 : i32 to vector<16xi32>
        %parallel_loop3A_205 = arith.addi %parallel_loop3A_204, %iota3A : vector<16xi32>
        %parallel_loop3A_206 = arith.constant 1 : i32
        %parallel_loop3A_207 = arith.index_cast %parallel_loop3A_206 : i32 to index
        %parallel_loop3A_208 = arith.index_cast %parallel_loop3A_178 : i32 to index
        %parallel_loop3A_209 = arith.constant 16 : index
        %parallel_loop3A_210 = tpu.vector_load %arg7[%parallel_loop3A_207, %parallel_loop3A_208, %parallel_loop3A_209] {strides = array<i32>} : memref<2x256x64xf32, #tpu.memory_space<vmem>>, vector<16xf32>,
        %parallel_loop3A_211 = arith.constant 3 : i32
        %parallel_loop3A_212 = vector.broadcast %parallel_loop3A_211 : i32 to vector<16xi32>
        %parallel_loop3A_213 = arith.shrsi %parallel_loop3A_205, %parallel_loop3A_212 : vector<16xi32>
        %parallel_loop3A_214 = arith.constant 7 : i32
        %parallel_loop3A_215 = vector.broadcast %parallel_loop3A_214 : i32 to vector<16xi32>
        %parallel_loop3A_216 = arith.andi %parallel_loop3A_205, %parallel_loop3A_215 : vector<16xi32>
        tpu.vector_store_idx %arg8[%broadcast_in_dim3A_147, %parallel_loop3A_185, %parallel_loop3A_213, %parallel_loop3A_216, %parallel_loop3A_188], %parallel_loop3A_210 : memref<2x2x8x8x137xf32, #tpu.memory_space<vmem>>[vector<16xi32>, vector<16xi32>, vector<16xi32>, vector<16xi32>, vector<16xi32>], vector<16xf32>,
        %parallel_loop3A_217 = arith.constant 32 : i32
        %parallel_loop3A_218 = vector.broadcast %parallel_loop3A_217 : i32 to vector<16xi32>
        %parallel_loop3A_219 = arith.addi %parallel_loop3A_218, %iota3A : vector<16xi32>
        %parallel_loop3A_220 = arith.constant 1 : i32
        %parallel_loop3A_221 = arith.index_cast %parallel_loop3A_220 : i32 to index
        %parallel_loop3A_222 = arith.index_cast %parallel_loop3A_178 : i32 to index
        %parallel_loop3A_223 = arith.constant 32 : index
        %parallel_loop3A_224 = tpu.vector_load %arg7[%parallel_loop3A_221, %parallel_loop3A_222, %parallel_loop3A_223] {strides = array<i32>} : memref<2x256x64xf32, #tpu.memory_space<vmem>>, vector<16xf32>,
        %parallel_loop3A_225 = arith.constant 3 : i32
        %parallel_loop3A_226 = vector.broadcast %parallel_loop3A_225 : i32 to vector<16xi32>
        %parallel_loop3A_227 = arith.shrsi %parallel_loop3A_219, %parallel_loop3A_226 : vector<16xi32>
        %parallel_loop3A_228 = arith.constant 7 : i32
        %parallel_loop3A_229 = vector.broadcast %parallel_loop3A_228 : i32 to vector<16xi32>
        %parallel_loop3A_230 = arith.andi %parallel_loop3A_219, %parallel_loop3A_229 : vector<16xi32>
        tpu.vector_store_idx %arg8[%broadcast_in_dim3A_147, %parallel_loop3A_185, %parallel_loop3A_227, %parallel_loop3A_230, %parallel_loop3A_188], %parallel_loop3A_224 : memref<2x2x8x8x137xf32, #tpu.memory_space<vmem>>[vector<16xi32>, vector<16xi32>, vector<16xi32>, vector<16xi32>, vector<16xi32>], vector<16xf32>,
        %parallel_loop3A_231 = arith.constant 48 : i32
        %parallel_loop3A_232 = vector.broadcast %parallel_loop3A_231 : i32 to vector<16xi32>
        %parallel_loop3A_233 = arith.addi %parallel_loop3A_232, %iota3A : vector<16xi32>
        %parallel_loop3A_234 = arith.constant 1 : i32
        %parallel_loop3A_235 = arith.index_cast %parallel_loop3A_234 : i32 to index
        %parallel_loop3A_236 = arith.index_cast %parallel_loop3A_178 : i32 to index
        %parallel_loop3A_237 = arith.constant 48 : index
        %parallel_loop3A_238 = tpu.vector_load %arg7[%parallel_loop3A_235, %parallel_loop3A_236, %parallel_loop3A_237] {strides = array<i32>} : memref<2x256x64xf32, #tpu.memory_space<vmem>>, vector<16xf32>,
        %parallel_loop3A_239 = arith.constant 3 : i32
        %parallel_loop3A_240 = vector.broadcast %parallel_loop3A_239 : i32 to vector<16xi32>
        %parallel_loop3A_241 = arith.shrsi %parallel_loop3A_233, %parallel_loop3A_240 : vector<16xi32>
        %parallel_loop3A_242 = arith.constant 7 : i32
        %parallel_loop3A_243 = vector.broadcast %parallel_loop3A_242 : i32 to vector<16xi32>
        %parallel_loop3A_244 = arith.andi %parallel_loop3A_233, %parallel_loop3A_243 : vector<16xi32>
        tpu.vector_store_idx %arg8[%broadcast_in_dim3A_147, %parallel_loop3A_185, %parallel_loop3A_241, %parallel_loop3A_244, %parallel_loop3A_188], %parallel_loop3A_238 : memref<2x2x8x8x137xf32, #tpu.memory_space<vmem>>[vector<16xi32>, vector<16xi32>, vector<16xi32>, vector<16xi32>, vector<16xi32>], vector<16xf32>,
      } {sc.loop_unroll_factor = 8 : i64, sc.parallel_access}
      %add3A_151 = arith.constant 1 : i32
      %add3A_152 = arith.addi %mul3A_74, %add3A_151 : i32
      %mul3A_153 = arith.constant 2 : i32
      %mul3A_154 = arith.muli %add3A_152, %mul3A_153 : i32
      %dma_start3A_155 = arith.constant 1 : i32
      %dma_start3A_156 = arith.constant 0 : i32
      %dma_start3A_157 = arith.constant 0 : i32
      %dma_start3A_158 = arith.constant 0 : i32
      %dma_start3A_159 = arith.constant 0 : i32
      %dma_start3A_160 = tpu.memref_slice %arg8[%dma_start3A_155, %dma_start3A_156, %dma_start3A_157, %dma_start3A_158, %dma_start3A_159] : memref<2x2x8x8x137xf32, #tpu.memory_space<vmem>> -> memref<1x2x8x8x128xf32, #tpu.memory_space<vmem>>
      %dma_start3A_161 = tpu.memref_squeeze %dma_start3A_160 : memref<1x2x8x8x128xf32, #tpu.memory_space<vmem>> -> memref<2x8x8x128xf32, #tpu.memory_space<vmem>>
      %dma_start3A_162 = arith.constant 0 : i32
      %dma_start3A_163 = arith.constant 0 : i32
      %dma_start3A_164 = arith.constant 0 : i32
      %dma_start3A_165 = tpu.memref_slice %arg4[%mul3A_154, %dma_start3A_162, %add3A, %dma_start3A_163, %dma_start3A_164] : memref<200x8x32x8x128xf32, #tpu.memory_space<hbm>> -> memref<2x8x1x8x128xf32, #tpu.memory_space<hbm>>
      %dma_start3A_166 = tpu.memref_squeeze %dma_start3A_165 : memref<2x8x1x8x128xf32, #tpu.memory_space<hbm>> -> memref<2x8x8x128xf32, #tpu.memory_space<hbm>>
      %dma_start3A_167 = arith.constant 0 : i32
      %dma_start3A_168 = arith.constant 0 : i32
      %dma_start3A_169 = arith.constant 0 : i32
      %dma_start3A_170 = tpu.memref_slice %arg4[%mul3A_154, %dma_start3A_167, %add3A, %dma_start3A_168, %dma_start3A_169] : memref<200x8x32x8x128xf32, #tpu.memory_space<hbm>> -> memref<2x8x1x8x128xf32, #tpu.memory_space<hbm>>
      %dma_start3A_171 = tpu.memref_squeeze %dma_start3A_170 : memref<2x8x1x8x128xf32, #tpu.memory_space<hbm>> -> memref<2x8x8x128xf32, #tpu.memory_space<hbm>>
      %dma_start3A_172 = arith.constant 0 : i32
      %dma_start3A_173 = arith.constant 0 : i32
      %dma_start3A_174 = arith.constant 0 : i32
      %dma_start3A_175 = arith.constant 0 : i32
      %dma_start3A_176 = tpu.memref_slice %arg8[%dma_start3A_155, %dma_start3A_172, %dma_start3A_173, %dma_start3A_174, %dma_start3A_175] : memref<2x2x8x8x137xf32, #tpu.memory_space<vmem>> -> memref<1x2x8x8x128xf32, #tpu.memory_space<vmem>>
      %dma_start3A_177 = tpu.memref_squeeze %dma_start3A_176 : memref<1x2x8x8x128xf32, #tpu.memory_space<vmem>> -> memref<2x8x8x128xf32, #tpu.memory_space<vmem>>
      tpu.enqueue_dma source(%dma_start3A_177 : memref<2x8x8x128xf32, #tpu.memory_space<vmem>>) target(%dma_start3A_171 : memref<2x8x8x128xf32, #tpu.memory_space<hbm>>) target_semaphore(%arg12 : memref<!tpu.dma_semaphore, #tpu.memory_space<semaphore_mem>>)
    }
    %scan3A_22 = arith.constant 50 : i32
    %dma_wait3A = arith.constant 0 : i32
    %dma_wait3A_23 = arith.constant 0 : i32
    %dma_wait3A_24 = arith.constant 0 : i32
    %dma_wait3A_25 = arith.constant 0 : i32
    %dma_wait3A_26 = arith.constant 0 : i32
    %dma_wait3A_27 = tpu.memref_slice %arg8[%dma_wait3A, %dma_wait3A_23, %dma_wait3A_24, %dma_wait3A_25, %dma_wait3A_26] : memref<2x2x8x8x137xf32, #tpu.memory_space<vmem>> -> memref<1x2x8x8x128xf32, #tpu.memory_space<vmem>>
    %dma_wait3A_28 = tpu.memref_squeeze %dma_wait3A_27 : memref<1x2x8x8x128xf32, #tpu.memory_space<vmem>> -> memref<2x8x8x128xf32, #tpu.memory_space<vmem>>
    %dma_wait3A_29 = arith.constant 196 : i32
    %dma_wait3A_30 = arith.constant 0 : i32
    %dma_wait3A_31 = arith.constant 0 : i32
    %dma_wait3A_32 = arith.constant 0 : i32
    %dma_wait3A_33 = tpu.memref_slice %arg4[%dma_wait3A_29, %dma_wait3A_30, %add3A, %dma_wait3A_31, %dma_wait3A_32] : memref<200x8x32x8x128xf32, #tpu.memory_space<hbm>> -> memref<2x8x1x8x128xf32, #tpu.memory_space<hbm>>
    %dma_wait3A_34 = tpu.memref_squeeze %dma_wait3A_33 : memref<2x8x1x8x128xf32, #tpu.memory_space<hbm>> -> memref<2x8x8x128xf32, #tpu.memory_space<hbm>>
    %dma_wait3A_35 = arith.constant 196 : i32
    %dma_wait3A_36 = arith.constant 0 : i32
    %dma_wait3A_37 = arith.constant 0 : i32
    %dma_wait3A_38 = arith.constant 0 : i32
    %dma_wait3A_39 = tpu.memref_slice %arg4[%dma_wait3A_35, %dma_wait3A_36, %add3A, %dma_wait3A_37, %dma_wait3A_38] : memref<200x8x32x8x128xf32, #tpu.memory_space<hbm>> -> memref<2x8x1x8x128xf32, #tpu.memory_space<hbm>>
    %dma_wait3A_40 = tpu.memref_squeeze %dma_wait3A_39 : memref<2x8x1x8x128xf32, #tpu.memory_space<hbm>> -> memref<2x8x8x128xf32, #tpu.memory_space<hbm>>
    %dma_wait3A_41 = arith.constant 0 : i32
    %dma_wait3A_42 = arith.constant 0 : i32
    %dma_wait3A_43 = arith.constant 0 : i32
    %dma_wait3A_44 = arith.constant 0 : i32
    %dma_wait3A_45 = tpu.memref_slice %arg8[%dma_wait3A, %dma_wait3A_41, %dma_wait3A_42, %dma_wait3A_43, %dma_wait3A_44] : memref<2x2x8x8x137xf32, #tpu.memory_space<vmem>> -> memref<1x2x8x8x128xf32, #tpu.memory_space<vmem>>
    %dma_wait3A_46 = tpu.memref_squeeze %dma_wait3A_45 : memref<1x2x8x8x128xf32, #tpu.memory_space<vmem>> -> memref<2x8x8x128xf32, #tpu.memory_space<vmem>>
    tpu.wait_dma2 semaphore(%arg11 : memref<!tpu.dma_semaphore, #tpu.memory_space<semaphore_mem>>) src(%dma_wait3A_46 : memref<2x8x8x128xf32, #tpu.memory_space<vmem>>) dst(%dma_wait3A_40 : memref<2x8x8x128xf32, #tpu.memory_space<hbm>>)
    %dma_wait3A_47 = arith.constant 1 : i32
    %dma_wait3A_48 = arith.constant 0 : i32
    %dma_wait3A_49 = arith.constant 0 : i32
    %dma_wait3A_50 = arith.constant 0 : i32
    %dma_wait3A_51 = arith.constant 0 : i32
    %dma_wait3A_52 = tpu.memref_slice %arg8[%dma_wait3A_47, %dma_wait3A_48, %dma_wait3A_49, %dma_wait3A_50, %dma_wait3A_51] : memref<2x2x8x8x137xf32, #tpu.memory_space<vmem>> -> memref<1x2x8x8x128xf32, #tpu.memory_space<vmem>>
    %dma_wait3A_53 = tpu.memref_squeeze %dma_wait3A_52 : memref<1x2x8x8x128xf32, #tpu.memory_space<vmem>> -> memref<2x8x8x128xf32, #tpu.memory_space<vmem>>
    %dma_wait3A_54 = arith.constant 198 : i32
    %dma_wait3A_55 = arith.constant 0 : i32
    %dma_wait3A_56 = arith.constant 0 : i32
    %dma_wait3A_57 = arith.constant 0 : i32
    %dma_wait3A_58 = tpu.memref_slice %arg4[%dma_wait3A_54, %dma_wait3A_55, %add3A, %dma_wait3A_56, %dma_wait3A_57] : memref<200x8x32x8x128xf32, #tpu.memory_space<hbm>> -> memref<2x8x1x8x128xf32, #tpu.memory_space<hbm>>
    %dma_wait3A_59 = tpu.memref_squeeze %dma_wait3A_58 : memref<2x8x1x8x128xf32, #tpu.memory_space<hbm>> -> memref<2x8x8x128xf32, #tpu.memory_space<hbm>>
    %dma_wait3A_60 = arith.constant 198 : i32
    %dma_wait3A_61 = arith.constant 0 : i32
    %dma_wait3A_62 = arith.constant 0 : i32
    %dma_wait3A_63 = arith.constant 0 : i32
    %dma_wait3A_64 = tpu.memref_slice %arg4[%dma_wait3A_60, %dma_wait3A_61, %add3A, %dma_wait3A_62, %dma_wait3A_63] : memref<200x8x32x8x128xf32, #tpu.memory_space<hbm>> -> memref<2x8x1x8x128xf32, #tpu.memory_space<hbm>>
    %dma_wait3A_65 = tpu.memref_squeeze %dma_wait3A_64 : memref<2x8x1x8x128xf32, #tpu.memory_space<hbm>> -> memref<2x8x8x128xf32, #tpu.memory_space<hbm>>
    %dma_wait3A_66 = arith.constant 0 : i32
    %dma_wait3A_67 = arith.constant 0 : i32
    %dma_wait3A_68 = arith.constant 0 : i32
    %dma_wait3A_69 = arith.constant 0 : i32
    %dma_wait3A_70 = tpu.memref_slice %arg8[%dma_wait3A_47, %dma_wait3A_66, %dma_wait3A_67, %dma_wait3A_68, %dma_wait3A_69] : memref<2x2x8x8x137xf32, #tpu.memory_space<vmem>> -> memref<1x2x8x8x128xf32, #tpu.memory_space<vmem>>
    %dma_wait3A_71 = tpu.memref_squeeze %dma_wait3A_70 : memref<1x2x8x8x128xf32, #tpu.memory_space<vmem>> -> memref<2x8x8x128xf32, #tpu.memory_space<vmem>>
    tpu.wait_dma2 semaphore(%arg12 : memref<!tpu.dma_semaphore, #tpu.memory_space<semaphore_mem>>) src(%dma_wait3A_71 : memref<2x8x8x128xf32, #tpu.memory_space<vmem>>) dst(%dma_wait3A_65 : memref<2x8x8x128xf32, #tpu.memory_space<hbm>>)
    return
  }
}

</mosaic_0001>

<sc_bundles>
// kernel: kernel.3.cloned.1.call-start
scs
__scs_entry_jumppad:
0x0: {  	(pc) =	sbr.rel $0x88, $3  }
0x1: {  	(tag) =	ssettag $0x0;
	lr =	simm.s32 $0x1  }
0x2: {  	[smem:$0x3F9F] =	sst lr;
	_ =	strace $0xD0000000  }
0x3: {  	_ = 	snop  }
0x4: {  	_ = 	snop  }
0x5: {  	_ = 	snop  }
0x6: {  	_ = 	snop  }
0x7: {  	_ = 	snop  }
__scs_overlays_trampoline_lowered:
0x8: {  	[smem:$0x3FAE] =	sst s0  }
0x9: {  	[smem:$0x3FAF] =	sst s1  }
0xa: {  	[smem:$0x3FB0] =	sst s2  }
0xb: {  	[smem:$0x3FB1] =	sst s3  }
0xc: {  	[smem:$0x3FB2] =	sst s4  }
0xd: {  	[smem:$0x3FB3] =	sst s5  }
0xe: {  	[smem:$0x3FB4] =	sst s6  }
0xf: {  	[smem:$0x3FB5] =	sst s7  }
0x10: {  	[smem:$0x3FB6] =	sst s8  }
0x11: {  	[smem:$0x3FB7] =	sst s9;
	s0 =	simm.s32 @!p0 $0x0  }
0x12: {  	s1 =	sld [smem:$0x3F9D];
	s0 =	simm.s32 @p0 $0x1  }
0x13: {  	[smem:$0x3FB8] =	sst s0;
	s0 =	simm.s32 @!p1 $0x0  }
0x14: {  	s2 =	sld [smem:$0x3F9C];
	s0 =	simm.s32 @p1 $0x1  }
0x15: {  	[smem:$0x3FB9] =	sst s0;
	s0 =	simm.s32 @!p2 $0x0  }
0x16: {  	s3 =	sld [smem:$0x3FDB];
	s0 =	simm.s32 @p2 $0x1  }
0x17: {  	s4 =	simm.s32 $0x1BF5;
	[smem:$0x3FBB] =	sst s0  }
0x18: {  	s0 =	sld [smem:$0x3F9E];
	_ =	swait.ge [sflag:s4], $0x0  }
0x19: {  	s7 =	sld [smem:$0x3F9F]  }
0x1a: {  	s8 =	sadd.s32 $0xFFFFE003, lr  }
0x1b: {  	s9 =	sadd.s32 $0xFFFFFEF7, lr;
	s5 =	simm.s32 $0xFFFFFFFF;
	p2 =	slt.u32 s8, $0xFFFFF086  }
0x1c: {  	p1 =	slt.u32 s9, $0xF7A;
	s5 =	simm.s32 @!p2 $0x0  }
0x1d: {  	s5 =	simm.s32 @p1 $0x1;
	p0 =	seq.s32 s7, s2  }
0x1e: {  	s7 =	smul.u32 @!p0 $0xF7A, s2;
	p2 =	seq.s32 @!p0 s5, $0x0  }
0x1f: {  	s9 =	smul.u32 $0xF7A, s1;
	s8 =	simm.s32 @!p0 $0x1BF5;
	p2 =	por !p2, p0  }
0x20: {  	[sflag:s8] =	ssyncset.s32 @!p0 $0xFFFFF086;
	s6 =	sadd.s32 @!p0 s3, s7;
	s7 =	simm.s32 @!p0 $0x108  }
0x21: {  	s3 =	sadd.s32 s3, s9;
	s6 =	sadd.s32 @!p0 $0x88, s6;
	s7 =	simm.s32 @p2 $0x1082  }
0x22: {  	[simem:s7], [sflag:s8] =	dma.local @!p0 [hbm:s6], $0xF7A  }
0x23: {  	s9 =	sor.u32 $0xD0000000, s2;
	s6 =	simm.s32 $0x108;
	_ =	swait.ge @!p0 [sflag:s8], $0x0  }
0x24: {  	s3 =	sadd.s32 $0x88, s3;
	s6 =	simm.s32 @!p1 $0x1082;
	[sflag:s4] =	ssyncset.s32 $0xFFFFF086  }
0x25: {  	[simem:s6], [sflag:s4] =	dma.local [hbm:s3], $0xF7A  }
0x26: {  	[smem:$0x3F9F] =	sst s1;
	(tag) =	ssettag s2;
	_ =	strace s9  }
0x27: {  	s1 =	sld [smem:$0x3FAF]  }
0x28: {  	s2 =	sld [smem:$0x3FB0]  }
0x29: {  	s4 =	sld [smem:$0x3FB2]  }
0x2a: {  	p0 =	seq.s32 s5, $0x0;
	s5 =	sld [smem:$0x3FB3]  }
0x2b: {  	s6 =	sld [smem:$0x3FB4]  }
0x2c: {  	s7 =	sld [smem:$0x3FB5]  }
0x2d: {  	s3 =	simm.s32 $0x108;
	s8 =	sld [smem:$0x3FB6]  }
0x2e: {  	s3 =	simm.s32 @!p0 $0x1082;
	s9 =	sld [smem:$0x3FB7]  }
0x2f: {  	lr =	sadd.s32 s0, s3;
	s0 =	sld [smem:$0x3FAE]  }
0x30: {  	s3 =	sld [smem:$0x3FB1]  }
0x31: {  	[smem:$0x3FBA] =	sst s10  }
0x32: {  	s10 =	sld [smem:$0x3FB8];
	_ =	sdelay $0x3  }
0x33: {  	p0 =	seq.s32 s10, $0x1;
	s10 =	sld [smem:$0x3FBA];
	_ =	sdelay $0x3  }
0x34: {  	[smem:$0x3FBA] =	sst s10  }
0x35: {  	s10 =	sld [smem:$0x3FB9];
	_ =	sdelay $0x3  }
0x36: {  	p1 =	seq.s32 s10, $0x1;
	s10 =	sld [smem:$0x3FBA];
	_ =	sdelay $0x3  }
0x37: {  	[smem:$0x3FBA] =	sst s10  }
0x38: {  	s10 =	sld [smem:$0x3FBB]  }
0x39: {  	_ = 	snop;
	(pc) =	sbr.ind lr, $3  }
0x3a: {  	_ = 	snop  }
0x3b: {  	_ = 	snop  }
0x3c: {  	p2 =	seq.s32 s10, $0x1;
	s10 =	sld [smem:$0x3FBA]  }
0x3d: {  	_ =	shalt  }
0x3e: {  	_ =	shalt  }
0x3f: {  	_ =	shalt  }
0x40: {  	_ =	shalt  }
0x41: {  	_ =	shalt  }
0x42: {  	_ =	shalt  }
0x43: {  	_ =	shalt  }
0x44: {  	_ =	shalt  }
0x45: {  	_ =	shalt  }
0x46: {  	_ =	shalt  }
0x47: {  	_ =	shalt  }
0x48: {  	_ =	shalt  }
0x49: {  	_ =	shalt  }
0x4a: {  	_ =	shalt  }
0x4b: {  	_ =	shalt  }
0x4c: {  	_ =	shalt  }
0x4d: {  	_ =	shalt  }
0x4e: {  	_ =	shalt  }
0x4f: {  	_ =	shalt  }
0x50: {  	_ =	shalt  }
0x51: {  	_ =	shalt  }
0x52: {  	_ =	shalt  }
0x53: {  	_ =	shalt  }
0x54: {  	_ =	shalt  }
0x55: {  	_ =	shalt  }
0x56: {  	_ =	shalt  }
0x57: {  	_ =	shalt  }
0x58: {  	_ =	shalt  }
0x59: {  	_ =	shalt  }
0x5a: {  	_ =	shalt  }
0x5b: {  	_ =	shalt  }
0x5c: {  	_ =	shalt  }
0x5d: {  	_ =	shalt  }
0x5e: {  	_ =	shalt  }
0x5f: {  	_ =	shalt  }
0x60: {  	_ =	shalt  }
0x61: {  	_ =	shalt  }
0x62: {  	_ =	shalt  }
0x63: {  	_ =	shalt  }
0x64: {  	_ =	shalt  }
0x65: {  	_ =	shalt  }
0x66: {  	_ =	shalt  }
0x67: {  	_ =	shalt  }
0x68: {  	_ =	shalt  }
0x69: {  	_ =	shalt  }
0x6a: {  	_ =	shalt  }
0x6b: {  	_ =	shalt  }
0x6c: {  	_ =	shalt  }
0x6d: {  	_ =	shalt  }
0x6e: {  	_ =	shalt  }
0x6f: {  	_ =	shalt  }
0x70: {  	_ =	shalt  }
0x71: {  	_ =	shalt  }
0x72: {  	_ =	shalt  }
0x73: {  	_ =	shalt  }
0x74: {  	_ =	shalt  }
0x75: {  	_ =	shalt  }
0x76: {  	_ =	shalt  }
0x77: {  	_ =	shalt  }
0x78: {  	_ =	shalt  }
0x79: {  	_ =	shalt  }
0x7a: {  	_ =	shalt  }
0x7b: {  	_ =	shalt  }
0x7c: {  	_ =	shalt  }
0x7d: {  	_ =	shalt  }
0x7e: {  	_ =	shalt  }
0x7f: {  	_ =	shalt  }
0x80: {  	_ =	shalt  }
0x81: {  	_ =	shalt  }
0x82: {  	_ =	shalt  }
0x83: {  	_ =	shalt  }
0x84: {  	_ =	shalt  }
0x85: {  	_ =	shalt  }
0x86: {  	_ =	shalt  }
0x87: {  	_ =	shalt  }
.Lfunc_end0:
.L_simem_size_0:
called_computation_lowered:
.L_overlay_start_0:
0x88: {  	s2 =	sld [smem:$0x3FD9]  }
0x89: {  	s3 =	sld [smem:$0x3FFE];
	_ =	sdelay $0x1  }
0x8a: {  	s1 =	srdreg.scid  }
0x8b: {  	s0 =	sand.u32 $0x1, s1  }
0x8c: {  	s17 =	sshll.u32 s0, $0xA;
	s2 =	sadd.s32 s3, s2  }
0x8d: {  	s2 =	sadd.s32 s2, s17  }
0x8e: {  	[smem:$0x3FC6] =	sst s2  }
0x8f: {  	_ = 	snop  }
0x90: {  	s2 =	sld [smem:$0x3FD0];
	(tm) =	ssettm $0x1  }
0x91: {  	s18 =	sld [smem:$0x3FFB];
	_ =	sdelay $0x3  }
0x92: {  	_ =	strace s18  }
0x93: {  	s3 =	sld [smem:$0x3FFC];
	_ =	sdelay $0x3  }
0x94: {  	_ =	strace s3  }
0x95: {  	s3 =	sld [smem:$0x3FFD];
	_ =	sdelay $0x3  }
0x96: {  	_ =	strace s3  }
0x97: {  	_ =	strace $0x8FFFFFFF  }
0x98: {  	s19 =	sld [smem:$0x3FDB];
	_ =	sdelay $0x1  }
0x99: {  	s4 =	simm.s32 $_scs_section_size  }
0x9a: {  	s5 =	simm.s32 $_size__tile_overlayer_lowered;
	s6 =	simm.s32 $_tile_overlayer_lowered  }
0x9b: {  	s22 =	simm.s32 $0x1BFF;
	s21 =	sshll.u32 s6, $0x1;
	s3 =	sadd.s32 s4, s19  }
0x9c: {  	s7 =	simm.s32 $0x0;
	s20 =	sshll.u32 s5, $0x1;
	s5 =	sadd.s32 s21, s3  }
0x9d: {  	[timem:s7], [sflag:s22] =	dma.local [hbm:s5], s20  }
0x9e: {  	_ =	swait.ge [sflag:s22], s20  }
0x9f: {  	s4 =	ssub.s32 $0x0, s20;
	[sflag:s22] =	ssyncset.done $0x0  }
0xa0: {  	[sflag:s22] =	ssyncadd.s32 s4;
	_ =	sdelay $0x1  }
0xa1: {  	s23 =	simm.s32 $0x1B8B  }
0xa2: {  	_ =	swait.ge [sflag:s23], $0x1  }
0xa3: {  	[sflag:s23] =	ssyncset.done $0x0  }
0xa4: {  	s25 =	simm.s32 $0x1B8E;
	s24 =	sld [smem:$0x3FFE];
	[sflag:s23] =	ssyncadd.s32 $0xFFFFFFFF  }
0xa5: {  	s26 =	simm.s32 $execute0_lowered;
	[smem:$0x3FD2] =	sst s25  }
0xa6: {  	s5 =	sshll.u32 s26, $0x1;
	_ =	strace $0x80000046;
	[dreg:$0x1] =	wrdreg $0xFFFFFFFF  }
0xa7: {  	s28 =	simm.s32 $_size_execute0_lowered;
	s3 =	sadd.s32 s3, s5;
	[dreg:$0x0] =	wrdreg $0x0  }
0xa8: {  	s5 =	sshll.u32 s28, $0x1;
	[dreg:$0x2] =	wrdreg s3  }
0xa9: {  	[dreg:$0x3] =	wrdreg s5  }
0xaa: {  	[dreg:$0x4] =	wrdreg $0xC0  }
0xab: {  	_ =	task [dreg:s7], $0x5FFFF  }
0xac: {  	[dreg:$0x1] =	wrdreg $0xFFFFFFFF  }
0xad: {  	[dreg:$0x0] =	wrdreg $0x60  }
0xae: {  	[dreg:$0x2] =	wrdreg s24  }
0xaf: {  	[dreg:$0x3] =	wrdreg s2  }
0xb0: {  	[dreg:$0x4] =	wrdreg $0x9  }
0xb1: {  	_ =	task.clear_ibuf [dreg:s7], $0x5FFFF;
	_ =	strace $0x90000046  }
0xb2: {  	s29 =	simm.s32 $0x9;
	_ =	strace $0x80000048  }
0xb3: {  	_ =	swait.ge [sflag:s29], $0x1  }
0xb4: {  	[sflag:s29] =	ssyncadd.s32 $0xFFFFFFFF  }
0xb5: {  	_ =	strace $0x90000048  }
0xb6: {  	_ =	sfence  }
0xb7: {  	s30 =	sld [smem:$0x0];
	_ =	sdelay $0x2  }
0xb8: {  	s31 =	sshll.u32 s1, $0xD;
	s1 =	sshrl.u32 s1, $0x2  }
0xb9: {  	s3 =	sand.u32 $0x4000, s31;
	s1 =	sadd.s32 s1, s30  }
0xba: {  	s0 =	sor.u32 s3, s0;
	s1 =	sshll.u32 s1, $0x11  }
0xbb: {  	s0 =	sor.u32 s1, s0  }
0xbc: {  	s0 =	sadd.s32 $0x8F2B, s0  }
0xbd: {  	[sflag:s0] =	ssyncadd.remote.s32 $0x1  }
0xbe: {  	_ =	sfence.sel $0xFFFF  }
0xbf: {  	[dreg:$0x0] =	wrdreg $0xFFFFFFFF;
	(pc) =	sbr.abs _section_cstart, $3  }
0xc0: {  	[dreg:$0x1] =	wrdreg $0xFFFFFFFF  }
0xc1: {  	_ =	task.clear_ibuf [dreg:s7], $0x2FFFF;
	_ =	strace $0x9FFFFFFF  }
0xc2: {  	(tm) =	ssettm $0x7FFFFFFF  }
0xc3: {  	_ =	shalt  }
tec
execute0_lowered:
.L_overlay_start_1:
0x0: {  	(tag) =	ssettag $0x1  }
0x1: {  	v0 =	vlaneseq.u32  }
0x2: {  	v33 =	vmul.u32 $0x90, v0;
	_ =	sdelay $0x1  }
0x3: {  	v2 =	vmul.u32 $0xC8, v0;
	v0 =	vadd.s32 $0x1B02, v33  }
0x4: {  	[tilespmem:$0x1FC20] =	vst v0;
	v0 =	vadd.s32 $0x1203, v33  }
0x5: {  	[tilespmem:$0x1FC30] =	vst v0;
	v0 =	vadd.s32 $0x1B04, v33  }
0x6: {  	[tilespmem:$0x1FC40] =	vst v0;
	v0 =	vadd.s32 $0x905, v33  }
0x7: {  	[tilespmem:$0x1FC50] =	vst v0;
	v0 =	vadd.s32 $0x1B05, v33  }
0x8: {  	s4 =	rddreg [dreg:$0x0];
	[tilespmem:$0x1FC60] =	vst v0;
	v0 =	vadd.s32 $0x906, v33  }
0x9: {  	s2 =	rddreg [dreg:$0x1];
	s3 =	simm.s32 $0x0;
	[tilespmem:$0x1FC70] =	vst v0;
	v0 =	vadd.s32 $0x1B06, v33  }
0xa: {  	s1 =	srdreg.scid;
	[smem:$0x7FF] =	sst s3;
	[tilespmem:$0x1FC80] =	vst v0;
	v0 =	vadd.s32 $0x5101, v33  }
0xb: {  	s5 =	sand.u32 $0x1, s1;
	s1 =	rddreg [dreg:$0x2];
	_ =	strace $0x80000047;
	[tilespmem:$0x1FC90] =	vst v0  }
0xc: {  	v3 =	vadd.s32 $0xC80, v2;
	[tilespmem:$0x1FD00] =	vst v2  }
0xd: {  	v4 =	vadd.s32 $0x1900, v2;
	[tilespmem:$0x1FD10] =	vst v3  }
0xe: {  	[tilespmem:$0x1FD20] =	vst v4  }
0xf: {  	v5 =	vadd.s32 $0x2580, v2;
	[tilespmem:$0x1FD30] =	vst v33  }
0x10: {  	v6 =	vadd.s32 $0x3200, v2;
	[tilespmem:$0x1FD40] =	vst v5  }
0x11: {  	v7 =	vadd.s32 $0x3E80, v2;
	[tilespmem:$0x1FD50] =	vst v6  }
0x12: {  	v8 =	vadd.s32 $0x4B00, v2;
	[tilespmem:$0x1FD60] =	vst v7  }
0x13: {  	v9 =	vadd.s32 $0x5780, v2;
	[tilespmem:$0x1FD70] =	vst v8  }
0x14: {  	v34 =	vadd.s32 $0x900, v33;
	[tilespmem:$0x1FD80] =	vst v9  }
0x15: {  	v35 =	vadd.s32 $0x1200, v33;
	[tilespmem:$0x1FD90] =	vst v34  }
0x16: {  	v36 =	vadd.s32 $0x1B00, v33;
	[tilespmem:$0x1FDA0] =	vst v35  }
0x17: {  	v37 =	vor.u32 $0x1, v33;
	[tilespmem:$0x1FDB0] =	vst v36  }
0x18: {  	v38 =	vadd.s32 $0x901, v33;
	[tilespmem:$0x1FDC0] =	vst v37  }
0x19: {  	v39 =	vadd.s32 $0x1201, v33;
	[tilespmem:$0x1FDD0] =	vst v38  }
0x1a: {  	v40 =	vadd.s32 $0x1B01, v33;
	[tilespmem:$0x1FDE0] =	vst v39  }
0x1b: {  	v41 =	vor.u32 $0x2, v33;
	[tilespmem:$0x1FDF0] =	vst v40  }
0x1c: {  	v24 =	vadd.s32 $0x1202, v33;
	[tilespmem:$0x1FE00] =	vst v41  }
0x1d: {  	v44 =	vor.u32 $0x3, v33;
	[tilespmem:$0x1FE10] =	vst v24  }
0x1e: {  	v22 =	vadd.s32 $0x903, v33;
	[tilespmem:$0x1FE20] =	vst v44  }
0x1f: {  	v48 =	vor.u32 $0x4, v33;
	[tilespmem:$0x1FE30] =	vst v22  }
0x20: {  	v26 =	vor.u32 $0x5, v33;
	[tilespmem:$0x1FE40] =	vst v48  }
0x21: {  	v27 =	vor.u32 $0x6, v33;
	[tilespmem:$0x1FE50] =	vst v26  }
0x22: {  	v60 =	vor.u32 $0x7, v33;
	[tilespmem:$0x1FE60] =	vst v27  }
0x23: {  	v28 =	vadd.s32 $0x907, v33;
	[tilespmem:$0x1FE70] =	vst v60  }
0x24: {  	v47 =	vadd.s32 $0x4800, v33;
	[tilespmem:$0x1FE80] =	vst v28  }
0x25: {  	v57 =	vadd.s32 $0x5A00, v33;
	[tilespmem:$0x1FE90] =	vst v47  }
0x26: {  	v61 =	vadd.s32 $0x5100, v33;
	[tilespmem:$0x1FEA0] =	vst v57  }
0x27: {  	v62 =	vadd.s32 $0x6300, v33;
	[tilespmem:$0x1FEB0] =	vst v61  }
0x28: {  	v63 =	vadd.s32 $0x4801, v33;
	[tilespmem:$0x1FEC0] =	vst v62  }
0x29: {  	v54 =	vadd.s32 $0x6302, v33;
	[tilespmem:$0x1FED0] =	vst v63  }
0x2a: {  	v46 =	vadd.s32 $0x5103, v33;
	[tilespmem:$0x1FEE0] =	vst v54  }
0x2b: {  	v45 =	vadd.s32 $0x5A03, v33;
	[tilespmem:$0x1FEF0] =	vst v46  }
0x2c: {  	v25 =	vadd.s32 $0x904, v33;
	[tilespmem:$0x1FF00] =	vst v45  }
0x2d: {  	v56 =	vadd.s32 $0x6303, v33;
	[tilespmem:$0x1FF10] =	vst v25  }
0x2e: {  	v29 =	vadd.s32 $0x1B07, v33;
	[tilespmem:$0x1FF20] =	vst v56  }
0x2f: {  	v49 =	vadd.s32 $0x4804, v33;
	[tilespmem:$0x1FF30] =	vst v29  }
0x30: {  	v31 =	vadd.s32 $0x1204, v33;
	[tilespmem:$0x1FF40] =	vst v49  }
0x31: {  	v52 =	vadd.s32 $0x5104, v33;
	[tilespmem:$0x1FF50] =	vst v31  }
0x32: {  	v42 =	vadd.s32 $0x1205, v33;
	[tilespmem:$0x1FF60] =	vst v52  }
0x33: {  	v43 =	vadd.s32 $0x5A04, v33;
	[tilespmem:$0x1FF70] =	vst v42  }
0x34: {  	v50 =	vadd.s32 $0x6304, v33;
	[tilespmem:$0x1FF80] =	vst v43  }
0x35: {  	v51 =	vadd.s32 $0x4805, v33;
	[tilespmem:$0x1FF90] =	vst v50  }
0x36: {  	v58 =	vadd.s32 $0x5105, v33;
	[tilespmem:$0x1FFA0] =	vst v51  }
0x37: {  	v10 =	vadd.s32 $0x5A05, v33;
	[tilespmem:$0x1FFB0] =	vst v58  }
0x38: {  	v55 =	vadd.s32 $0x1206, v33;
	[tilespmem:$0x1FFC0] =	vst v10  }
0x39: {  	v53 =	vadd.s32 $0x6305, v33;
	[tilespmem:$0x1FFD0] =	vst v55  }
0x3a: {  	s0 =	stileid.u32;
	s9 =	simm.s32 $0x100;
	v30 =	vadd.s32 $0x1B03, v33;
	[tilespmem:$0x1FFE0] =	vst v53  }
0x3b: {  	s10 =	simm.s32 $0x6400;
	s11 =	simm.s32 $0xC800;
	s12 =	simm.s32 $0x10800;
	v0 =	vadd.s32 $0x5A01, v33;
	[tilespmem:$0x1FFF0] =	vst v30  }
0x3c: {  	s13 =	simm.s32 $0x1;
	s14 =	simm.s32 $0x14800;
	s6 =	sshll.u32 s0, $0x1;
	[tilespmem:$0x1FCA0] =	vst v0;
	v0 =	vadd.s32 $0x6301, v33  }
0x3d: {  	s15 =	simm.s32 $0x2;
	s16 =	simm.s32 $0x3;
	s6 =	sor.u32 s5, s6;
	[tilespmem:$0x1FCB0] =	vst v0;
	v0 =	vadd.s32 $0x4802, v33  }
0x3e: {  	s17 =	simm.s32 $0x4;
	s5 =	ssub.s32 $0x2, s5;
	s7 =	smul.u32 $0xC80, s6;
	[tilespmem:$0x1FCC0] =	vst v0;
	v0 =	vadd.s32 $0x5102, v33  }
0x3f: {  	s18 =	simm.s32 $0x0;
	s8 =	sshrl.u32 s5, $0x1;
	s6 =	sshll.u32 s6, $0xA;
	[tilespmem:$0x1FCD0] =	vst v0;
	v0 =	vadd.s32 $0x5A02, v33  }
0x40: {  	s8 =	ssub.s32 s5, s8;
	s7 =	sadd.s32 s7, s4;
	s4 =	sadd.s32 $0xF42A00, s4;
	[tilespmem:$0x1FCE0] =	vst v0;
	v0 =	vadd.s32 $0x4803, v33  }
0x41: {  	v32 =	vadd.s32 $0x902, v33;
	v59 =	vadd.s32 $0x1207, v33;
	s5 =	sadd.s32 $0x600, s7;
	s7 =	smax.u32 s8, $0x1;
	s8 =	simm.s32 $0x5;
	[tilespmem:$0x1FCF0] =	vst v0  }
.LBB2_1:
0x42: {  	v0 =	vadd.s32 s3, v2  }
0x43: {  	[tilespmem:s3], [sflag:$0x5] =	stream.linear.gather [hbm4b:s5+s3], $0x6400, $0x38;
	[tilespmem:$0x1D800] =	vst v63  }
0x44: {  	_ =	swait.ge [sflag:s8], $0x6400  }
0x45: {  	[sflag:s8] =	ssyncset.done $0x0  }
0x46: {  	[sflag:s8] =	ssyncadd.s32 $0xFFFF9C00  }
0x47: {  	v0 =	vld.idx.msk [tilespmem:v0+s3+$0x0], $0xffff  }
0x48: {  	v1 =	vadd.s32 s3, v3;
	_ =	sdelay $0x2  }
0x49: {  	s19 =	simm.s32 $0x6440  }
0x4a: {  	[tilespmem:s19+$0xFFFFFFC0] =	vst v0  }
0x4b: {  	v0 =	vld.idx.msk [tilespmem:v1+s3+$0x0], $0xffff  }
0x4c: {  	v1 =	vadd.s32 s3, v4;
	_ =	sdelay $0x3  }
0x4d: {  	[tilespmem:s19+$0xFFFFFFD0] =	vst v0  }
0x4e: {  	v0 =	vld.idx.msk [tilespmem:v1+s3+$0x0], $0xffff  }
0x4f: {  	v1 =	vadd.s32 s3, v5;
	_ =	sdelay $0x3  }
0x50: {  	[tilespmem:s19+$0xFFFFFFE0] =	vst v0  }
0x51: {  	v0 =	vld.idx.msk [tilespmem:v1+s3+$0x0], $0xffff  }
0x52: {  	v1 =	vadd.s32 s3, v6;
	_ =	sdelay $0x3  }
0x53: {  	[tilespmem:s19+$0xFFFFFFF0] =	vst v0  }
0x54: {  	v0 =	vld.idx.msk [tilespmem:v1+s3+$0x0], $0xffff  }
0x55: {  	v1 =	vadd.s32 s3, v7;
	_ =	sdelay $0x3  }
0x56: {  	[tilespmem:s19+$0x0] =	vst v0  }
0x57: {  	v0 =	vld.idx.msk [tilespmem:v1+s3+$0x0], $0xffff  }
0x58: {  	v1 =	vadd.s32 s3, v8;
	_ =	sdelay $0x3  }
0x59: {  	[tilespmem:s19+$0x10] =	vst v0  }
0x5a: {  	v0 =	vld.idx.msk [tilespmem:v1+s3+$0x0], $0xffff  }
0x5b: {  	v1 =	vadd.s32 s3, v9;
	_ =	sdelay $0x3  }
0x5c: {  	[tilespmem:s19+$0x20] =	vst v0  }
0x5d: {  	s20 =	simm.s32 $0x1;
	v0 =	vld.idx.msk [tilespmem:v1+s3+$0x0], $0xffff  }
0x5e: {  	s21 =	simm.s32 $0x2;
	v1 =	vadd.s32 s20, v2  }
.LBB2_2:
0x5f: {  	p0 =	sne.s32 s21, $0xC7;
	_ =	sdelay $0x2  }
0x60: {  	[tilespmem:s19+$0x30] =	vst v0  }
0x61: {  	v0 =	vld.idx.msk [tilespmem:v1+s3+$0x0], $0xffff;
	_ =	sdelay $0x1  }
0x62: {  	v1 =	vadd.s32 s20, v3;
	_ =	sdelay $0x2  }
0x63: {  	s19 =	sadd.s32 $0x80, s19  }
0x64: {  	[tilespmem:s19+$0xFFFFFFC0] =	vst v0  }
0x65: {  	v0 =	vld.idx.msk [tilespmem:v1+s3+$0x0], $0xffff;
	_ =	sdelay $0x1  }
0x66: {  	v1 =	vadd.s32 s20, v4;
	_ =	sdelay $0x3  }
0x67: {  	[tilespmem:s19+$0xFFFFFFD0] =	vst v0  }
0x68: {  	v0 =	vld.idx.msk [tilespmem:v1+s3+$0x0], $0xffff;
	_ =	sdelay $0x1  }
0x69: {  	v1 =	vadd.s32 s20, v5;
	_ =	sdelay $0x3  }
0x6a: {  	[tilespmem:s19+$0xFFFFFFE0] =	vst v0  }
0x6b: {  	v0 =	vld.idx.msk [tilespmem:v1+s3+$0x0], $0xffff;
	_ =	sdelay $0x1  }
0x6c: {  	v1 =	vadd.s32 s20, v6;
	_ =	sdelay $0x3  }
0x6d: {  	[tilespmem:s19+$0xFFFFFFF0] =	vst v0  }
0x6e: {  	v0 =	vld.idx.msk [tilespmem:v1+s3+$0x0], $0xffff;
	_ =	sdelay $0x1  }
0x6f: {  	v1 =	vadd.s32 s20, v7;
	_ =	sdelay $0x3  }
0x70: {  	[tilespmem:s19+$0x0] =	vst v0  }
0x71: {  	v0 =	vld.idx.msk [tilespmem:v1+s3+$0x0], $0xffff;
	_ =	sdelay $0x1  }
0x72: {  	v1 =	vadd.s32 s20, v8;
	_ =	sdelay $0x3  }
0x73: {  	[tilespmem:s19+$0x10] =	vst v0  }
0x74: {  	v0 =	vld.idx.msk [tilespmem:v1+s3+$0x0], $0xffff;
	_ =	sdelay $0x1  }
0x75: {  	v1 =	vadd.s32 s20, v9;
	s20 =	smov.u32 s21;
	_ =	sdelay $0x2  }
.Ltmp0:
0x76: {  	(pc) =	sbr.rel @p0 .LBB2_2-.Ltmp0, $3  }
0x77: {  	[tilespmem:s19+$0x20] =	vst v0  }
0x78: {  	v0 =	vld.idx.msk [tilespmem:v1+s3+$0x0], $0xffff;
	_ =	sdelay $0x1  }
0x79: {  	s21 =	sadd.s32 $0x1, s21;
	v1 =	vadd.s32 s20, v2  }
0x7a: {  	_ =	sdelay $0x2  }
0x7b: {  	[tilespmem:s19+$0x30] =	vst v0  }
0x7c: {  	v0 =	vld.idx.msk [tilespmem:v1+s3+$0x0], $0xffff  }
0x7d: {  	v54 =	vadd.s32 s20, v3;
	_ =	sdelay $0x2  }
0x7e: {  	s31 =	sadd.s32 $0x80, s19  }
0x7f: {  	[tilespmem:s31+$0xFFFFFFC0] =	vst v0  }
0x80: {  	v0 =	vld.idx.msk [tilespmem:v54+s3+$0x0], $0xffff  }
0x81: {  	v56 =	vadd.s32 s20, v4;
	_ =	sdelay $0x3  }
0x82: {  	[tilespmem:s31+$0xFFFFFFD0] =	vst v0  }
0x83: {  	v0 =	vld.idx.msk [tilespmem:v56+s3+$0x0], $0xffff  }
0x84: {  	v57 =	vadd.s32 s20, v5;
	_ =	sdelay $0x3  }
0x85: {  	[tilespmem:s31+$0xFFFFFFE0] =	vst v0  }
0x86: {  	v0 =	vld.idx.msk [tilespmem:v57+s3+$0x0], $0xffff  }
0x87: {  	v58 =	vadd.s32 s20, v6;
	_ =	sdelay $0x3  }
0x88: {  	[tilespmem:s31+$0xFFFFFFF0] =	vst v0  }
0x89: {  	v0 =	vld.idx.msk [tilespmem:v58+s3+$0x0], $0xffff  }
0x8a: {  	v61 =	vadd.s32 s20, v7;
	_ =	sdelay $0x3  }
0x8b: {  	[tilespmem:s31+$0x0] =	vst v0  }
0x8c: {  	v0 =	vld.idx.msk [tilespmem:v61+s3+$0x0], $0xffff  }
0x8d: {  	v62 =	vadd.s32 s20, v8;
	_ =	sdelay $0x3  }
0x8e: {  	[tilespmem:s31+$0x10] =	vst v0  }
0x8f: {  	v0 =	vld.idx.msk [tilespmem:v62+s3+$0x0], $0xffff  }
0x90: {  	v63 =	vadd.s32 s20, v9;
	_ =	sdelay $0x3  }
0x91: {  	[tilespmem:s31+$0x20] =	vst v0  }
0x92: {  	v0 =	vld.idx.msk [tilespmem:v63+s3+$0x0], $0xffff;
	_ =	sdelay $0x4  }
0x93: {  	s20 =	simm.s32 $0x0;
	s19 =	simm.s32 $0x0;
	[tilespmem:s31+$0x30] =	vst v0  }
0x94: {  	[tilespmem:s11], [sflag:$0x1] =	stream.indirect.gather [hbm4b:s4+s9], $0x40, s10, s9, $0xb8;
	[tilespmem:$0x1D800] =	vst v63  }
.LBB2_4:
0x95: {  	s21 =	sshllo.u32 s20, $0x1  }
0x96: {  	v0 =	vmov s19;
	s28 =	simm.s32 $0x1;
	s23 =	simm.s32 $0x2;
	s22 =	sshll.u32 s21, $0x8  }
0x97: {  	s29 =	simm.s32 $0x3;
	s24 =	simm.s32 $0x4;
	v1 =	vshrl.u32 v0, $0x7;
	s22 =	sand.u32 $0x3FFFFF00, s22  }
0x98: {  	s30 =	simm.s32 $0x5;
	s31 =	simm.s32 $0x6;
	v2 =	vmov s28;
	v3 =	vmov s23;
	v4 =	vmov s29;
	s22 =	sadd.s32 $0x6400, s22  }
0x99: {  	v0 =	vand.u32 $0x78, v0;
	v5 =	vmov s24;
	v6 =	vmov s30;
	[tilespmem:s12], [sflag:$0x2] =	stream.indirect.gather [hbm4b:s4+s9], $0x40, s22, s9, $0xb8;
	[tilespmem:$0x1D800] =	vst v63  }
0x9a: {  	v7 =	vmov s31;
	s23 =	simm.s32 $0x7;
	v8 =	vand.u32 $0x78, v2;
	v9 =	vand.u32 $0x78, v3;
	_ =	swait.ge [sflag:s13], $0x4000  }
0x9b: {  	p0 =	seq.s32 s20, $0x0;
	v10 =	vand.u32 $0x78, v4;
	v11 =	vmov s23;
	v12 =	vand.u32 $0x78, v5;
	[sflag:s13] =	ssyncset.done $0x0  }
0x9c: {  	v1 =	vmul.u32 $0x2400, v1;
	v2 =	vshrl.u32 v2, $0x7;
	v13 =	vshrl.u32 v11, $0x7;
	s22 =	simm.s32 @!p0 $0x4;
	[sflag:s13] =	ssyncadd.s32 $0xFFFFC000  }
0x9d: {  	v3 =	vshrl.u32 v3, $0x7;
	v4 =	vshrl.u32 v4, $0x7;
	v13 =	vmul.u32 $0x2400, v13;
	_ =	swait.ge @!p0 [sflag:s22], $0x4000  }
0x9e: {  	v5 =	vshrl.u32 v5, $0x7;
	v11 =	vand.u32 $0x78, v11;
	v2 =	vmul.u32 $0x2400, v2;
	[sflag:s22] =	ssyncset.done @!p0 $0x0  }
0x9f: {  	v14 =	vshrl.u32 v6, $0x7;
	v0 =	vor.u32 v0, v1;
	v11 =	vor.u32 v11, v13;
	[sflag:s22] =	ssyncadd.s32 @!p0 $0xFFFFC000;
	s22 =	simm.s32 $0xC900  }
0xa0: {  	v1 =	vmul.u32 $0x2400, v3;
	v23 =	vor.u32 v8, v2;
	v13 =	vadd.s32 v60, v11;
	v3 =	vld [tilespmem:s22+$0xC0]  }
0xa1: {  	v6 =	vand.u32 $0x78, v6;
	v2 =	vmul.u32 $0x2400, v4;
	v17 =	vadd.s32 v37, v23;
	v8 =	vld [tilespmem:s22+$0xFFFFFF40]  }
0xa2: {  	v16 =	vadd.s32 v33, v0;
	v9 =	vor.u32 v9, v1;
	v1 =	vmul.u32 $0x2400, v5;
	v15 =	vld [tilespmem:s22+$0xFFFFFF00]  }
0xa3: {  	v5 =	vmul.u32 $0x2400, v14;
	v19 =	vadd.s32 v41, v9;
	v2 =	vor.u32 v10, v2;
	v18 =	vld [tilespmem:s22+$0xFFFFFF80]  }
0xa4: {  	v4 =	vshrl.u32 v7, $0x7;
	v20 =	vadd.s32 v44, v2;
	v1 =	vor.u32 v12, v1;
	v10 =	vld [tilespmem:s22+$0xFFFFFFC0]  }
0xa5: {  	v21 =	vmul.u32 $0x2400, v4;
	v4 =	vor.u32 v6, v5;
	v14 =	vadd.s32 v48, v1;
	v12 =	vld [tilespmem:s22+$0x0];
	[tilespmem:v13+s14+$0x0] =	vst.idx.msk $0xffff, v3  }
0xa6: {  	[tilespmem:v17+s14+$0x0] =	vst.idx.msk $0xffff, v8;
	v8 =	vld [tilespmem:s22+$0x40];
	v13 =	vadd.s32 v26, v4  }
0xa7: {  	[tilespmem:v16+s14+$0x0] =	vst.idx.msk $0xffff, v15;
	v3 =	vand.u32 $0x78, v7;
	v7 =	vadd.s32 v28, v11;
	v6 =	vld [tilespmem:s22+$0xD0]  }
0xa8: {  	[tilespmem:v19+s14+$0x0] =	vst.idx.msk $0xffff, v18;
	v17 =	vadd.s32 v38, v23;
	v5 =	vor.u32 v3, v21;
	v16 =	vld [tilespmem:s22+$0xFFFFFF50]  }
0xa9: {  	[tilespmem:v20+s14+$0x0] =	vst.idx.msk $0xffff, v10;
	v3 =	vld [tilespmem:s22+$0x80];
	v15 =	vadd.s32 v27, v5  }
0xaa: {  	[tilespmem:v14+s14+$0x0] =	vst.idx.msk $0xffff, v12  }
0xab: {  	[tilespmem:v13+s14+$0x0] =	vst.idx.msk $0xffff, v8  }
0xac: {  	[tilespmem:v7+s14+$0x0] =	vst.idx.msk $0xffff, v6  }
0xad: {  	[tilespmem:v17+s14+$0x0] =	vst.idx.msk $0xffff, v16  }
0xae: {  	v10 =	vld [tilespmem:s22+$0xFFFFFF90];
	[tilespmem:v15+s14+$0x0] =	vst.idx.msk $0xffff, v3  }
0xaf: {  	v18 =	vadd.s32 v32, v9;
	v53 =	vld [tilespmem:$0x1FC50];
	_ =	sdelay $0x1  }
0xb0: {  	v14 =	vadd.s32 v22, v2;
	v12 =	vld [tilespmem:s22+$0xFFFFFFD0]  }
0xb1: {  	v8 =	vld [tilespmem:s22+$0x10];
	v13 =	vadd.s32 v25, v1  }
0xb2: {  	v7 =	vadd.s32 v59, v11;
	v6 =	vld [tilespmem:s22+$0xE0]  }
0xb3: {  	v3 =	vld [tilespmem:s22+$0x50];
	[tilespmem:v18+s14+$0x0] =	vst.idx.msk $0xffff, v10;
	v15 =	vadd.s32 v53, v4  }
0xb4: {  	v57 =	vld [tilespmem:$0x1FC70]  }
0xb5: {  	[tilespmem:v14+s14+$0x0] =	vst.idx.msk $0xffff, v12  }
0xb6: {  	[tilespmem:v13+s14+$0x0] =	vst.idx.msk $0xffff, v8  }
0xb7: {  	v17 =	vld [tilespmem:s22+$0xFFFFFF10];
	[tilespmem:v7+s14+$0x0] =	vst.idx.msk $0xffff, v6  }
0xb8: {  	v10 =	vld [tilespmem:s22+$0x90];
	[tilespmem:v15+s14+$0x0] =	vst.idx.msk $0xffff, v3  }
0xb9: {  	v16 =	vadd.s32 v57, v5;
	v46 =	vld [tilespmem:$0x1FC30]  }
0xba: {  	v18 =	vadd.s32 v34, v0;
	v12 =	vld [tilespmem:s22+$0xFFFFFF60]  }
0xbb: {  	v45 =	vmov v22;
	v19 =	vadd.s32 v39, v23;
	v22 =	vld [tilespmem:s22+$0xFFFFFFA0]  }
0xbc: {  	v11 =	vadd.s32 v29, v11;
	v8 =	vld [tilespmem:s22+$0xF0]  }
0xbd: {  	v49 =	vmov v25;
	v56 =	vmov v27;
	v25 =	vadd.s32 v24, v9;
	v27 =	vld [tilespmem:s22+$0xFFFFFFE0]  }
0xbe: {  	v62 =	vmov v59;
	v58 =	vmov v28;
	v59 =	vld [tilespmem:$0x1FC80];
	[tilespmem:v16+s14+$0x0] =	vst.idx.msk $0xffff, v10;
	v28 =	vadd.s32 v46, v2  }
0xbf: {  	[tilespmem:v18+s14+$0x0] =	vst.idx.msk $0xffff, v17  }
0xc0: {  	v51 =	vld [tilespmem:$0x1FC40];
	[tilespmem:v19+s14+$0x0] =	vst.idx.msk $0xffff, v12  }
0xc1: {  	[tilespmem:v11+s14+$0x0] =	vst.idx.msk $0xffff, v8  }
0xc2: {  	v47 =	vmov v30;
	v54 =	vadd.s32 v31, v1;
	v30 =	vld [tilespmem:s22+$0x20];
	[tilespmem:v25+s14+$0x0] =	vst.idx.msk $0xffff, v22  }
0xc3: {  	s25 =	simm.s32 $0x9;
	s26 =	simm.s32 $0xA;
	v43 =	vmov v24;
	s24 =	simm.s32 $0x8;
	v20 =	vadd.s32 v42, v4;
	v24 =	vadd.s32 v35, v0;
	v18 =	vld [tilespmem:s22+$0x60];
	[tilespmem:v28+s14+$0x0] =	vst.idx.msk $0xffff, v27  }
0xc4: {  	v61 =	vmovc v29;
	s29 =	simm.s32 $0xC;
	s30 =	simm.s32 $0xD;
	v29 =	vmov s25;
	v14 =	vmov s26;
	v6 =	vmov s24;
	v27 =	vld [tilespmem:$0x1FC20]  }
0xc5: {  	v52 =	vmovc v26;
	s28 =	simm.s32 $0xB;
	s31 =	simm.s32 $0xE;
	v13 =	vmov s29;
	v7 =	vmov s30;
	v26 =	vshrl.u32 v6, $0x7;
	v17 =	vld [tilespmem:s22+$0xA0]  }
0xc6: {  	v3 =	vand.u32 $0x78, v6;
	v15 =	vmov s28;
	v6 =	vmov s31;
	v21 =	vld [tilespmem:s22+$0xFFFFFF20]  }
0xc7: {  	v63 =	vmovc v44;
	v50 =	vmovc v31;
	v10 =	vand.u32 $0x78, v15;
	v16 =	vmul.u32 $0x2400, v26;
	v26 =	vshrl.u32 v29, $0x7;
	v22 =	vld [tilespmem:s22+$0xFFFFFF70]  }
0xc8: {  	v19 =	vadd.s32 v55, v5;
	v12 =	vand.u32 $0x78, v29;
	v25 =	vadd.s32 v40, v23;
	v23 =	vld [tilespmem:s22+$0xFFFFFFB0];
	[tilespmem:v54+s14+$0x0] =	vst.idx.msk $0xffff, v30  }
0xc9: {  	s23 =	simm.s32 $0x10;
	v44 =	vmovc v55;
	s24 =	simm.s32 $0xF;
	v11 =	vand.u32 $0x78, v14;
	v8 =	vand.u32 $0x78, v13;
	v54 =	vmovc v42;
	v55 =	vld [tilespmem:$0x1FC60];
	v9 =	vadd.s32 v27, v9  }
.LBB2_5:
0xca: {  	_ = 	snop  }
0xcb: {  	v14 =	vshrl.u32 v14, $0x7  }
0xcc: {  	v27 =	vmov s24;
	v28 =	vld [tilespmem:s22+$0xFFFFFFF0];
	v2 =	vadd.s32 v47, v2;
	v15 =	vshrl.u32 v15, $0x7;
	[tilespmem:v20+s14+$0x0] =	vst.idx.msk $0xffff, v18  }
0xcd: {  	v1 =	vadd.s32 v51, v1;
	v13 =	vshrl.u32 v13, $0x7;
	v18 =	vshrl.u32 v27, $0x7;
	v20 =	vld [tilespmem:s22+$0x30];
	[tilespmem:v19+s14+$0x0] =	vst.idx.msk $0xffff, v17  }
0xce: {  	v4 =	vadd.s32 v55, v4;
	v5 =	vadd.s32 v59, v5;
	[tilespmem:v24+s14+$0x0] =	vst.idx.msk $0xffff, v21;
	v17 =	vmul.u32 $0x2400, v18;
	v18 =	vld [tilespmem:s22+$0x70]  }
0xcf: {  	v21 =	vand.u32 $0x78, v27;
	[tilespmem:v25+s14+$0x0] =	vst.idx.msk $0xffff, v22;
	v24 =	vmul.u32 $0x2400, v26;
	v25 =	vadd.s32 v36, v0;
	v22 =	vld [tilespmem:s22+$0xB0]  }
0xd0: {  	v19 =	vshrl.u32 v7, $0x7;
	[tilespmem:v9+s14+$0x0] =	vst.idx.msk $0xffff, v23;
	v0 =	vor.u32 v3, v16;
	v17 =	vor.u32 v21, v17;
	v21 =	vld [tilespmem:s22+$0xFFFFFF30];
	s22 =	sadd.s32 $0x200, s22  }
0xd1: {  	v3 =	vmul.u32 $0x2400, v14;
	[tilespmem:v2+s14+$0x0] =	vst.idx.msk $0xffff, v28;
	v27 =	vor.u32 v12, v24;
	v14 =	vld [tilespmem:s22+$0xC0];
	v16 =	vadd.s32 v60, v17  }
0xd2: {  	v7 =	vand.u32 $0x78, v7;
	v2 =	vmul.u32 $0x2400, v15;
	v15 =	vadd.s32 v37, v27;
	v12 =	vld [tilespmem:s22+$0xFFFFFF40];
	[tilespmem:v1+s14+$0x0] =	vst.idx.msk $0xffff, v20  }
0xd3: {  	v26 =	vadd.s32 v33, v0;
	v9 =	vor.u32 v11, v3;
	v23 =	vld [tilespmem:s22+$0xFFFFFF00];
	v1 =	vmul.u32 $0x2400, v13;
	[tilespmem:v4+s14+$0x0] =	vst.idx.msk $0xffff, v18  }
0xd4: {  	v11 =	vadd.s32 v41, v9;
	v2 =	vor.u32 v10, v2;
	v3 =	vld [tilespmem:s22+$0xFFFFFF80];
	[tilespmem:v5+s14+$0x0] =	vst.idx.msk $0xffff, v22;
	v5 =	vmul.u32 $0x2400, v19  }
0xd5: {  	v10 =	vld [tilespmem:s22+$0xFFFFFFC0];
	v13 =	vadd.s32 v63, v2;
	v4 =	vshrl.u32 v6, $0x7;
	v1 =	vor.u32 v8, v1;
	[tilespmem:v25+s14+$0x0] =	vst.idx.msk $0xffff, v21  }
0xd6: {  	v8 =	vld [tilespmem:s22+$0x0];
	v19 =	vmul.u32 $0x2400, v4;
	v18 =	vadd.s32 v48, v1;
	v4 =	vor.u32 v7, v5;
	[tilespmem:v16+s14+$0x0] =	vst.idx.msk $0xffff, v14  }
0xd7: {  	v5 =	vand.u32 $0x78, v6;
	[tilespmem:v15+s14+$0x0] =	vst.idx.msk $0xffff, v12;
	v12 =	vld [tilespmem:s22+$0x40];
	v14 =	vadd.s32 v52, v4  }
0xd8: {  	v7 =	vadd.s32 v58, v17;
	[tilespmem:v26+s14+$0x0] =	vst.idx.msk $0xffff, v23;
	v5 =	vor.u32 v5, v19;
	v6 =	vld [tilespmem:s22+$0xD0]  }
0xd9: {  	[tilespmem:v11+s14+$0x0] =	vst.idx.msk $0xffff, v3;
	v3 =	vld [tilespmem:s22+$0x80];
	v11 =	vadd.s32 v56, v5  }
0xda: {  	v16 =	vadd.s32 v38, v27;
	v15 =	vld [tilespmem:s22+$0xFFFFFF50];
	[tilespmem:v13+s14+$0x0] =	vst.idx.msk $0xffff, v10  }
0xdb: {  	v10 =	vld [tilespmem:s22+$0xFFFFFF90];
	v13 =	vadd.s32 v32, v9;
	[tilespmem:v18+s14+$0x0] =	vst.idx.msk $0xffff, v8  }
0xdc: {  	v8 =	vld [tilespmem:s22+$0xFFFFFFD0];
	v18 =	vadd.s32 v45, v2;
	[tilespmem:v14+s14+$0x0] =	vst.idx.msk $0xffff, v12  }
0xdd: {  	v12 =	vld [tilespmem:s22+$0x10];
	v14 =	vadd.s32 v49, v1;
	[tilespmem:v7+s14+$0x0] =	vst.idx.msk $0xffff, v6  }
0xde: {  	[tilespmem:v11+s14+$0x0] =	vst.idx.msk $0xffff, v3;
	v3 =	vld [tilespmem:s22+$0x50];
	v11 =	vadd.s32 v53, v4  }
0xdf: {  	[tilespmem:v16+s14+$0x0] =	vst.idx.msk $0xffff, v15;
	v15 =	vld [tilespmem:s22+$0xFFFFFF10];
	v16 =	vadd.s32 v34, v0  }
0xe0: {  	v7 =	vadd.s32 v62, v17;
	[tilespmem:v13+s14+$0x0] =	vst.idx.msk $0xffff, v10;
	v6 =	vld [tilespmem:s22+$0xE0]  }
0xe1: {  	v13 =	vadd.s32 v57, v5;
	v10 =	vld [tilespmem:s22+$0x90];
	[tilespmem:v18+s14+$0x0] =	vst.idx.msk $0xffff, v8  }
0xe2: {  	v29 =	vadd.s32 v46, v2;
	[tilespmem:v14+s14+$0x0] =	vst.idx.msk $0xffff, v12;
	v28 =	vld [tilespmem:s22+$0xFFFFFFE0]  }
0xe3: {  	v23 =	vadd.s32 v43, v9;
	v22 =	vld [tilespmem:s22+$0xFFFFFFA0];
	[tilespmem:v11+s14+$0x0] =	vst.idx.msk $0xffff, v3  }
0xe4: {  	v8 =	vld [tilespmem:s22+$0xFFFFFF60];
	[tilespmem:v16+s14+$0x0] =	vst.idx.msk $0xffff, v15  }
0xe5: {  	s26 =	sadd.s32 $0x1, s23;
	v24 =	vadd.s32 v35, v0;
	v18 =	vadd.s32 v39, v27;
	v31 =	vld [tilespmem:s22+$0x20];
	[tilespmem:v7+s14+$0x0] =	vst.idx.msk $0xffff, v6  }
0xe6: {  	s25 =	sadd.s32 $0x2, s23;
	v42 =	vmovc v32;
	v30 =	vmov s26;
	v21 =	vadd.s32 v61, v17;
	v32 =	vadd.s32 v50, v1;
	[tilespmem:v13+s14+$0x0] =	vst.idx.msk $0xffff, v10;
	v12 =	vld [tilespmem:s22+$0xF0]  }
0xe7: {  	p0 =	slt.u32 s23, $0xF8;
	s28 =	sadd.s32 $0x3, s23;
	v25 =	vadd.s32 v40, v27;
	v20 =	vadd.s32 v54, v4;
	v14 =	vmov s25;
	[tilespmem:v29+s14+$0x0] =	vst.idx.msk $0xffff, v28;
	v29 =	vld [tilespmem:$0x1FC20]  }
.Ltmp1:
0xe8: {  	s29 =	sadd.s32 $0x4, s23;
	s30 =	sadd.s32 $0x5, s23;
	v19 =	vadd.s32 v44, v5;
	v15 =	vmov s28;
	v11 =	vand.u32 $0x78, v14;
	[tilespmem:v23+s14+$0x0] =	vst.idx.msk $0xffff, v22;
	v17 =	vld [tilespmem:s22+$0xA0];
	(pc) =	sbr.rel @p0 .LBB2_5-.Ltmp1, $4  }
0xe9: {  	v6 =	vmov s23;
	v13 =	vmov s29;
	v7 =	vmov s30;
	v23 =	vld [tilespmem:s22+$0xFFFFFFB0]  }
0xea: {  	s31 =	sadd.s32 $0x6, s23;
	v10 =	vand.u32 $0x78, v15;
	v26 =	vshrl.u32 v6, $0x7;
	v3 =	vand.u32 $0x78, v6;
	[tilespmem:v18+s14+$0x0] =	vst.idx.msk $0xffff, v8;
	v18 =	vld [tilespmem:s22+$0x60]  }
0xeb: {  	v6 =	vmov s31;
	v8 =	vand.u32 $0x78, v13;
	v16 =	vmul.u32 $0x2400, v26;
	v22 =	vld [tilespmem:s22+$0xFFFFFF70];
	[tilespmem:v32+s14+$0x0] =	vst.idx.msk $0xffff, v31  }
0xec: {  	s24 =	sadd.s32 $0x7, s23;
	s23 =	sadd.s32 $0x8, s23;
	v26 =	vshrl.u32 v30, $0x7;
	v32 =	vmovc v42;
	[tilespmem:v21+s14+$0x0] =	vst.idx.msk $0xffff, v12;
	v12 =	vand.u32 $0x78, v30;
	v21 =	vld [tilespmem:s22+$0xFFFFFF20];
	v9 =	vadd.s32 v29, v9  }
0xed: {  	_ =	sdelay $0x3  }
0xee: {  	v27 =	vmov s24;
	v28 =	vld [tilespmem:s22+$0xFFFFFFF0];
	v2 =	vadd.s32 v47, v2;
	v1 =	vadd.s32 v51, v1;
	[tilespmem:v19+s14+$0x0] =	vst.idx.msk $0xffff, v17  }
0xef: {  	s31 =	sadd.s32 $0x200, s22;
	v3 =	vor.u32 v3, v16;
	v30 =	vshrl.u32 v27, $0x7;
	v31 =	vand.u32 $0x78, v27;
	[tilespmem:v20+s14+$0x0] =	vst.idx.msk $0xffff, v18;
	v20 =	vld [tilespmem:s22+$0x30]  }
0xf0: {  	v27 =	vadd.s32 v33, v3;
	v17 =	vmul.u32 $0x2400, v30;
	v30 =	vmul.u32 $0x2400, v26;
	v26 =	vld [tilespmem:s31+$0xFFFFFF00];
	[tilespmem:v25+s14+$0x0] =	vst.idx.msk $0xffff, v22  }
0xf1: {  	v14 =	vshrl.u32 v14, $0x7;
	v15 =	vshrl.u32 v15, $0x7;
	v5 =	vadd.s32 v59, v5;
	v22 =	vld [tilespmem:s22+$0xB0];
	[tilespmem:v24+s14+$0x0] =	vst.idx.msk $0xffff, v21  }
0xf2: {  	v0 =	vadd.s32 v36, v0;
	[tilespmem:v9+s14+$0x0] =	vst.idx.msk $0xffff, v23;
	v15 =	vmul.u32 $0x2400, v15;
	v17 =	vor.u32 v31, v17;
	v21 =	vld [tilespmem:s22+$0xFFFFFF30]  }
0xf3: {  	v4 =	vadd.s32 v55, v4;
	v31 =	vmul.u32 $0x2400, v14;
	v14 =	vld [tilespmem:s31+$0xC0];
	v25 =	vadd.s32 v60, v17;
	[tilespmem:v2+s14+$0x0] =	vst.idx.msk $0xffff, v28  }
0xf4: {  	v13 =	vshrl.u32 v13, $0x7;
	v18 =	vld [tilespmem:s22+$0x70];
	v10 =	vor.u32 v10, v15;
	v12 =	vor.u32 v12, v30;
	[tilespmem:v1+s14+$0x0] =	vst.idx.msk $0xffff, v20  }
0xf5: {  	v30 =	vmul.u32 $0x2400, v13;
	v28 =	vadd.s32 v37, v12;
	v9 =	vor.u32 v11, v31;
	v1 =	vld [tilespmem:s31+$0xFFFFFF40];
	[tilespmem:v27+s14+$0x0] =	vst.idx.msk $0xffff, v26  }
0xf6: {  	v19 =	vshrl.u32 v7, $0x7;
	v60 =	vadd.s32 v63, v10;
	v31 =	vld [tilespmem:s31+$0xFFFFFF80];
	v37 =	vadd.s32 v41, v9;
	[tilespmem:v5+s14+$0x0] =	vst.idx.msk $0xffff, v22  }
0xf7: {  	v63 =	vmul.u32 $0x2400, v19;
	v8 =	vor.u32 v8, v30;
	v41 =	vshrl.u32 v6, $0x7;
	v5 =	vld [tilespmem:s31+$0xFFFFFFC0];
	[tilespmem:v0+s14+$0x0] =	vst.idx.msk $0xffff, v21  }
0xf8: {  	v24 =	vand.u32 $0x78, v7;
	v22 =	vadd.s32 v48, v8;
	v15 =	vmul.u32 $0x2400, v41;
	v21 =	vld [tilespmem:s31+$0x0];
	[tilespmem:v25+s14+$0x0] =	vst.idx.msk $0xffff, v14  }
0xf9: {  	v2 =	vor.u32 v24, v63;
	v27 =	vadd.s32 v58, v17;
	[tilespmem:v4+s14+$0x0] =	vst.idx.msk $0xffff, v18;
	v25 =	vand.u32 $0x78, v6;
	v26 =	vld [tilespmem:s31+$0xD0]  }
0xfa: {  	v30 =	vadd.s32 v52, v2;
	v6 =	vor.u32 v25, v15;
	[tilespmem:v28+s14+$0x0] =	vst.idx.msk $0xffff, v1;
	v28 =	vld [tilespmem:s31+$0x40]  }
0xfb: {  	[tilespmem:v37+s14+$0x0] =	vst.idx.msk $0xffff, v31;
	v31 =	vld [tilespmem:s31+$0x80];
	v37 =	vadd.s32 v56, v6  }
0xfc: {  	v48 =	vadd.s32 v38, v12;
	v41 =	vld [tilespmem:s31+$0xFFFFFF50];
	[tilespmem:v60+s14+$0x0] =	vst.idx.msk $0xffff, v5  }
0xfd: {  	v56 =	vadd.s32 v32, v9;
	v52 =	vld [tilespmem:s31+$0xFFFFFF90];
	[tilespmem:v22+s14+$0x0] =	vst.idx.msk $0xffff, v21  }
0xfe: {  	v60 =	vadd.s32 v45, v10;
	v58 =	vld [tilespmem:s31+$0xFFFFFFD0];
	[tilespmem:v27+s14+$0x0] =	vst.idx.msk $0xffff, v26  }
0xff: {  	v23 =	vadd.s32 v49, v8;
	v22 =	vld [tilespmem:s31+$0x10];
	[tilespmem:v30+s14+$0x0] =	vst.idx.msk $0xffff, v28  }
0x100: {  	v21 =	vadd.s32 v62, v17;
	v63 =	vld [tilespmem:s31+$0xE0];
	[tilespmem:v37+s14+$0x0] =	vst.idx.msk $0xffff, v31  }
0x101: {  	v28 =	vld [tilespmem:s31+$0xFFFFFF10];
	v30 =	vadd.s32 v34, v3;
	[tilespmem:v48+s14+$0x0] =	vst.idx.msk $0xffff, v41  }
0x102: {  	v25 =	vadd.s32 v53, v2;
	v24 =	vld [tilespmem:s31+$0x50];
	[tilespmem:v56+s14+$0x0] =	vst.idx.msk $0xffff, v52  }
0x103: {  	v27 =	vadd.s32 v57, v6;
	v26 =	vld [tilespmem:s31+$0x90];
	[tilespmem:v60+s14+$0x0] =	vst.idx.msk $0xffff, v58  }
0x104: {  	v32 =	vadd.s32 v39, v12;
	v31 =	vld [tilespmem:s31+$0xFFFFFF60];
	[tilespmem:v23+s14+$0x0] =	vst.idx.msk $0xffff, v22  }
0x105: {  	v38 =	vadd.s32 v43, v9;
	v37 =	vld [tilespmem:s31+$0xFFFFFFA0];
	[tilespmem:v21+s14+$0x0] =	vst.idx.msk $0xffff, v63  }
0x106: {  	v41 =	vadd.s32 v46, v10;
	v39 =	vld [tilespmem:s31+$0xFFFFFFE0];
	[tilespmem:v30+s14+$0x0] =	vst.idx.msk $0xffff, v28  }
0x107: {  	v45 =	vadd.s32 v50, v8;
	v43 =	vld [tilespmem:s31+$0x20];
	[tilespmem:v25+s14+$0x0] =	vst.idx.msk $0xffff, v24  }
0x108: {  	v34 =	vadd.s32 v61, v17;
	v1 =	vld [tilespmem:s31+$0xF0];
	[tilespmem:v27+s14+$0x0] =	vst.idx.msk $0xffff, v26  }
0x109: {  	v53 =	vadd.s32 v35, v3;
	v52 =	vld [tilespmem:s31+$0xFFFFFF20];
	[tilespmem:v32+s14+$0x0] =	vst.idx.msk $0xffff, v31  }
0x10a: {  	v48 =	vadd.s32 v54, v2;
	v46 =	vld [tilespmem:s31+$0x60];
	[tilespmem:v38+s14+$0x0] =	vst.idx.msk $0xffff, v37  }
0x10b: {  	v50 =	vadd.s32 v44, v6;
	v49 =	vld [tilespmem:s31+$0xA0];
	[tilespmem:v41+s14+$0x0] =	vst.idx.msk $0xffff, v39  }
0x10c: {  	v12 =	vadd.s32 v40, v12;
	v54 =	vld [tilespmem:s31+$0xFFFFFF70];
	[tilespmem:v45+s14+$0x0] =	vst.idx.msk $0xffff, v43  }
0x10d: {  	v9 =	vadd.s32 v29, v9;
	v56 =	vld [tilespmem:s31+$0xFFFFFFB0];
	[tilespmem:v34+s14+$0x0] =	vst.idx.msk $0xffff, v1  }
0x10e: {  	v10 =	vadd.s32 v47, v10;
	v57 =	vld [tilespmem:s31+$0xFFFFFFF0];
	[tilespmem:v53+s14+$0x0] =	vst.idx.msk $0xffff, v52  }
0x10f: {  	v8 =	vadd.s32 v51, v8;
	v58 =	vld [tilespmem:s31+$0x30];
	[tilespmem:v48+s14+$0x0] =	vst.idx.msk $0xffff, v46  }
0x110: {  	v3 =	vadd.s32 v36, v3;
	[tilespmem:v50+s14+$0x0] =	vst.idx.msk $0xffff, v49;
	v63 =	vld [tilespmem:s31+$0xFFFFFF30]  }
0x111: {  	v2 =	vadd.s32 v55, v2;
	v60 =	vld [tilespmem:s31+$0x70];
	[tilespmem:v12+s14+$0x0] =	vst.idx.msk $0xffff, v54  }
0x112: {  	v6 =	vadd.s32 v59, v6;
	v61 =	vld [tilespmem:s31+$0xB0];
	[tilespmem:v9+s14+$0x0] =	vst.idx.msk $0xffff, v56  }
0x113: {  	[tilespmem:v10+s14+$0x0] =	vst.idx.msk $0xffff, v57  }
0x114: {  	s23 =	sshll.u32 s20, $0x14;
	[tilespmem:v8+s14+$0x0] =	vst.idx.msk $0xffff, v58  }
0x115: {  	s22 =	sor.u32 s6, s23;
	[tilespmem:v3+s14+$0x0] =	vst.idx.msk $0xffff, v63  }
0x116: {  	s22 =	sshrl.u32 s22, $0x3;
	[tilespmem:v2+s14+$0x0] =	vst.idx.msk $0xffff, v60  }
0x117: {  	s24 =	simm.s32 $0x14800;
	s23 =	sadd.s32 s2, s22;
	[tilespmem:v6+s14+$0x0] =	vst.idx.msk $0xffff, v61  }
0x118: {  	[hbm4b:s23+s3] =	stream.linear.scatter [tilespmem:s24], [sflag:$0x3], $0x80, $0x38;
	[tilespmem:$0x1D800] =	vst v63  }
0x119: {  	s25 =	simm.s32 $0x14890;
	s26 =	sadd.s32 $0x10, s23  }
0x11a: {  	[hbm4b:s26+s3] =	stream.linear.scatter [tilespmem:s25], [sflag:$0x3], $0x80, $0x38;
	[tilespmem:$0x1D800] =	vst v63  }
0x11b: {  	s28 =	simm.s32 $0x14920;
	s30 =	simm.s32 $0x149B0;
	s29 =	sadd.s32 $0x20, s23  }
0x11c: {  	[hbm4b:s29+s3] =	stream.linear.scatter [tilespmem:s28], [sflag:$0x3], $0x80, $0x38;
	[tilespmem:$0x1D800] =	vst v63  }
0x11d: {  	s22 =	simm.s32 $0x480;
	s31 =	sadd.s32 $0x30, s23;
	s24 =	simm.s32 $0x2400  }
0x11e: {  	[hbm4b:s31+s3] =	stream.linear.scatter [tilespmem:s30], [sflag:$0x3], $0x80, $0x38;
	[tilespmem:$0x1D800] =	vst v63  }
0x11f: {  	s25 =	simm.s32 $0x14A40;
	s26 =	sadd.s32 $0x40, s23;
	s28 =	simm.s32 $0x14AD0  }
0x120: {  	[hbm4b:s26+s3] =	stream.linear.scatter [tilespmem:s25], [sflag:$0x3], $0x80, $0x38;
	[tilespmem:$0x1D800] =	vst v63  }
0x121: {  	s29 =	sadd.s32 $0x50, s23;
	s30 =	simm.s32 $0x14B60;
	s31 =	sadd.s32 $0x60, s23  }
0x122: {  	[hbm4b:s29+s3] =	stream.linear.scatter [tilespmem:s28], [sflag:$0x3], $0x80, $0x38;
	[tilespmem:$0x1D800] =	vst v63  }
0x123: {  	s25 =	simm.s32 $0x14BF0;
	s26 =	sadd.s32 $0x70, s23;
	s23 =	sadd.s32 $0x1000, s23  }
0x124: {  	v59 =	vmov v62;
	[hbm4b:s31+s3] =	stream.linear.scatter [tilespmem:s30], [sflag:$0x3], $0x80, $0x38;
	[tilespmem:$0x1D800] =	vst v63  }
.LBB2_7:
0x125: {  	[hbm4b:s26+s3] =	stream.linear.scatter [tilespmem:s25], [sflag:$0x3], $0x80, $0x38;
	[tilespmem:$0x1D800] =	vst v63  }
0x126: {  	s25 =	smov.u32 s22;
	s22 =	smov.u32 s24  }
0x127: {  	s28 =	sadd.s32 $0x1200, s24;
	s22 =	sshra.s32 s22, $0x2;
	s26 =	sadd.s32 $0x14800, s25  }
0x128: {  	[hbm4b:s23+s3] =	stream.linear.scatter [tilespmem:s26], [sflag:$0x3], $0x80, $0x38;
	[tilespmem:$0x1D800] =	vst v63  }
0x129: {  	p0 =	sne.s32 s24, $0x10E00;
	s24 =	sadd.s32 $0x14890, s25;
	s26 =	sadd.s32 $0x10, s23  }
0x12a: {  	[hbm4b:s26+s3] =	stream.linear.scatter [tilespmem:s24], [sflag:$0x3], $0x80, $0x38;
	[tilespmem:$0x1D800] =	vst v63  }
0x12b: {  	s24 =	sadd.s32 $0x14920, s25;
	s26 =	sadd.s32 $0x20, s23  }
0x12c: {  	[hbm4b:s26+s3] =	stream.linear.scatter [tilespmem:s24], [sflag:$0x3], $0x80, $0x38;
	[tilespmem:$0x1D800] =	vst v63  }
0x12d: {  	s24 =	sadd.s32 $0x149B0, s25;
	s26 =	sadd.s32 $0x30, s23  }
0x12e: {  	[hbm4b:s26+s3] =	stream.linear.scatter [tilespmem:s24], [sflag:$0x3], $0x80, $0x38;
	[tilespmem:$0x1D800] =	vst v63  }
0x12f: {  	s24 =	sadd.s32 $0x14A40, s25;
	s26 =	sadd.s32 $0x40, s23  }
0x130: {  	[hbm4b:s26+s3] =	stream.linear.scatter [tilespmem:s24], [sflag:$0x3], $0x80, $0x38;
	[tilespmem:$0x1D800] =	vst v63  }
.Ltmp2:
0x131: {  	s24 =	sadd.s32 $0x14AD0, s25;
	s26 =	sadd.s32 $0x50, s23;
	(pc) =	sbr.rel @p0 .LBB2_7-.Ltmp2, $4  }
0x132: {  	[hbm4b:s26+s3] =	stream.linear.scatter [tilespmem:s24], [sflag:$0x3], $0x80, $0x38;
	[tilespmem:$0x1D800] =	vst v63  }
0x133: {  	s24 =	sadd.s32 $0x14B60, s25;
	s26 =	sadd.s32 $0x60, s23;
	s25 =	sadd.s32 $0x14BF0, s25  }
0x134: {  	[hbm4b:s26+s3] =	stream.linear.scatter [tilespmem:s24], [sflag:$0x3], $0x80, $0x38;
	[tilespmem:$0x1D800] =	vst v63  }
0x135: {  	s26 =	sadd.s32 $0x70, s23;
	s23 =	sadd.s32 $0x1000, s23;
	s24 =	smov.u32 s28  }
0x136: {  	[hbm4b:s26+s3] =	stream.linear.scatter [tilespmem:s25], [sflag:$0x3], $0x80, $0x38;
	[tilespmem:$0x1D800] =	vst v63  }
0x137: {  	s24 =	sadd.s32 $0x14800, s22  }
0x138: {  	[hbm4b:s23+s3] =	stream.linear.scatter [tilespmem:s24], [sflag:$0x3], $0x80, $0x38;
	[tilespmem:$0x1D800] =	vst v63  }
0x139: {  	s28 =	sadd.s32 $0x14890, s22;
	s29 =	sadd.s32 $0x10, s23  }
0x13a: {  	[hbm4b:s29+s3] =	stream.linear.scatter [tilespmem:s28], [sflag:$0x3], $0x80, $0x38;
	[tilespmem:$0x1D800] =	vst v63  }
0x13b: {  	s30 =	sadd.s32 $0x14920, s22;
	s31 =	sadd.s32 $0x20, s23  }
0x13c: {  	[hbm4b:s31+s3] =	stream.linear.scatter [tilespmem:s30], [sflag:$0x3], $0x80, $0x38;
	[tilespmem:$0x1D800] =	vst v63  }
0x13d: {  	s25 =	sadd.s32 $0x149B0, s22;
	s26 =	sadd.s32 $0x30, s23;
	p0 =	seq.s32 s20, $0x31  }
0x13e: {  	[hbm4b:s26+s3] =	stream.linear.scatter [tilespmem:s25], [sflag:$0x3], $0x80, $0x38;
	[tilespmem:$0x1D800] =	vst v63  }
0x13f: {  	s24 =	simm.s32 $0x1;
	s28 =	sadd.s32 $0x14A40, s22;
	s29 =	sadd.s32 $0x40, s23  }
0x140: {  	[hbm4b:s29+s3] =	stream.linear.scatter [tilespmem:s28], [sflag:$0x3], $0x80, $0x38;
	[tilespmem:$0x1D800] =	vst v63  }
0x141: {  	s30 =	sadd.s32 $0x14AD0, s22;
	s31 =	sadd.s32 $0x50, s23;
	s25 =	simm.s32 $0x2  }
0x142: {  	[hbm4b:s31+s3] =	stream.linear.scatter [tilespmem:s30], [sflag:$0x3], $0x80, $0x38;
	[tilespmem:$0x1D800] =	vst v63  }
0x143: {  	s26 =	sadd.s32 $0x14B60, s22;
	v3 =	vmov s25;
	s25 =	sshll.u32 @!p0 s20, $0x9;
	s28 =	sadd.s32 $0x60, s23  }
0x144: {  	[hbm4b:s28+s3] =	stream.linear.scatter [tilespmem:s26], [sflag:$0x3], $0x80, $0x38;
	[tilespmem:$0x1D800] =	vst v63  }
0x145: {  	s29 =	sadd.s32 $0x14BF0, s22;
	s30 =	sadd.s32 $0x70, s23;
	s23 =	simm.s32 @!p0 $0x3  }
0x146: {  	v2 =	vmov s24;
	[hbm4b:s30+s3] =	stream.linear.scatter [tilespmem:s29], [sflag:$0x3], $0x80, $0x38;
	[tilespmem:$0x1D800] =	vst v63  }
0x147: {  	s24 =	simm.s32 @!p0 $0x100;
	v8 =	vand.u32 $0x78, v2;
	v2 =	vshrl.u32 v2, $0x7;
	s22 =	sand.u32 @!p0 $0x3FFFFE00, s25;
	_ =	swait.ge @!p0 [sflag:s23], $0x4000  }
0x148: {  	v2 =	vmul.u32 $0x2400, v2;
	s25 =	simm.s32 @!p0 $0xC800;
	s31 =	simm.s32 $0x0;
	[sflag:s23] =	ssyncset.done @!p0 $0x0  }
0x149: {  	s22 =	sadd.s32 @!p0 $0x6600, s22;
	v0 =	vmov s31;
	s31 =	simm.s32 $0x7;
	[sflag:s23] =	ssyncadd.s32 @!p0 $0xFFFFC000  }
0x14a: {  	v32 =	vor.u32 v8, v2;
	[tilespmem:s25], [sflag:$0x1] =	stream.indirect.gather @!p0 [hbm4b:s4+s24], $0x40, s22, s24, $0xb8;
	[tilespmem:$0x1D800] =	vst v63  }
0x14b: {  	v10 =	vand.u32 $0x78, v3;
	v3 =	vshrl.u32 v3, $0x7;
	v9 =	vmov s31;
	_ =	swait.ge [sflag:s15], $0x4000  }
0x14c: {  	v1 =	vshrl.u32 v0, $0x7;
	v0 =	vand.u32 $0x78, v0;
	v14 =	vshrl.u32 v9, $0x7;
	s29 =	simm.s32 $0x5;
	v47 =	vld [tilespmem:$0x1FE90]  }
0x14d: {  	v1 =	vmul.u32 $0x2400, v1;
	v14 =	vmul.u32 $0x2400, v14;
	v6 =	vmov s29;
	v63 =	vld [tilespmem:$0x1FED0]  }
0x14e: {  	s26 =	simm.s32 $0x3;
	v13 =	vand.u32 $0x78, v6;
	v15 =	vshrl.u32 v6, $0x7;
	v6 =	vand.u32 $0x78, v9;
	[sflag:s15] =	ssyncset.done $0x0;
	v38 =	vld [tilespmem:$0x1FCC0]  }
0x14f: {  	v4 =	vmov s26;
	v14 =	vor.u32 v6, v14;
	v6 =	vadd.s32 $0x4807, v33;
	s22 =	simm.s32 $0x109F0;
	v41 =	vld [tilespmem:$0x1FCF0];
	[sflag:s15] =	ssyncadd.s32 $0xFFFFC000  }
0x150: {  	v9 =	vor.u32 v0, v1;
	v0 =	vmul.u32 $0x2400, v3;
	v3 =	vadd.s32 v6, v14;
	v1 =	vld [tilespmem:s22+$0xFFFFFFD0]  }
0x151: {  	s28 =	simm.s32 $0x4;
	v11 =	vand.u32 $0x78, v4;
	v4 =	vshrl.u32 v4, $0x7;
	v16 =	vld [tilespmem:s22+$0xFFFFFE10];
	v17 =	vadd.s32 v47, v9  }
0x152: {  	v5 =	vmov s28;
	v2 =	vmul.u32 $0x2400, v4;
	v4 =	vld [tilespmem:s22+$0xFFFFFE50];
	v8 =	vadd.s32 v63, v32  }
0x153: {  	v12 =	vand.u32 $0x78, v5;
	v5 =	vshrl.u32 v5, $0x7;
	v36 =	vor.u32 v10, v0  }
0x154: {  	v0 =	vmul.u32 $0x2400, v5;
	v5 =	vld [tilespmem:s22+$0xFFFFFE90];
	v18 =	vadd.s32 v38, v36  }
0x155: {  	v11 =	vor.u32 v11, v2;
	v49 =	vld [tilespmem:$0x1FF40];
	[tilespmem:v3+s14+$0x0] =	vst.idx.msk $0xffff, v1  }
0x156: {  	v20 =	vld [tilespmem:s22+$0xFFFFFED0];
	v21 =	vadd.s32 v41, v11;
	[tilespmem:v17+s14+$0x0] =	vst.idx.msk $0xffff, v16  }
0x157: {  	[tilespmem:v8+s14+$0x0] =	vst.idx.msk $0xffff, v4  }
0x158: {  	s30 =	simm.s32 $0x6;
	v51 =	vld [tilespmem:$0x1FFA0]  }
0x159: {  	v7 =	vmov s30;
	v10 =	vor.u32 v12, v0;
	v0 =	vmul.u32 $0x2400, v15;
	v15 =	vld [tilespmem:s22+$0xFFFFFF10];
	[tilespmem:v18+s14+$0x0] =	vst.idx.msk $0xffff, v5  }
0x15a: {  	v2 =	vshrl.u32 v7, $0x7;
	v22 =	vadd.s32 v49, v10;
	v44 =	vld [tilespmem:$0x1FC90]  }
0x15b: {  	v23 =	vmul.u32 $0x2400, v2;
	v2 =	vadd.s32 $0x5107, v33;
	v1 =	vld [tilespmem:s22+$0xFFFFFFE0];
	[tilespmem:v21+s14+$0x0] =	vst.idx.msk $0xffff, v20  }
0x15c: {  	v12 =	vor.u32 v13, v0;
	v0 =	vand.u32 $0x78, v7;
	v3 =	vadd.s32 v2, v14;
	v39 =	vld [tilespmem:$0x1FCD0]  }
0x15d: {  	v7 =	vld [tilespmem:s22+$0xFFFFFF50];
	v13 =	vor.u32 v0, v23;
	v4 =	vadd.s32 $0x4806, v33;
	v8 =	vadd.s32 v51, v12  }
0x15e: {  	v0 =	vld [tilespmem:s22+$0xFFFFFF90];
	v16 =	vadd.s32 v4, v13  }
0x15f: {  	v17 =	vld [tilespmem:s22+$0xFFFFFE60];
	[tilespmem:v22+s14+$0x0] =	vst.idx.msk $0xffff, v15;
	v18 =	vadd.s32 v44, v32  }
0x160: {  	v46 =	vld [tilespmem:$0x1FEF0]  }
0x161: {  	v20 =	vld [tilespmem:s22+$0xFFFFFEA0];
	[tilespmem:v3+s14+$0x0] =	vst.idx.msk $0xffff, v1;
	v21 =	vadd.s32 v39, v36  }
0x162: {  	[tilespmem:v8+s14+$0x0] =	vst.idx.msk $0xffff, v7  }
0x163: {  	v52 =	vld [tilespmem:$0x1FF60];
	[tilespmem:v16+s14+$0x0] =	vst.idx.msk $0xffff, v0  }
0x164: {  	v15 =	vld [tilespmem:s22+$0xFFFFFEE0];
	[tilespmem:v18+s14+$0x0] =	vst.idx.msk $0xffff, v17  }
0x165: {  	v22 =	vadd.s32 v46, v11;
	v58 =	vld [tilespmem:$0x1FFB0]  }
0x166: {  	v23 =	vld [tilespmem:s22+$0xFFFFFF20];
	[tilespmem:v21+s14+$0x0] =	vst.idx.msk $0xffff, v20  }
0x167: {  	v5 =	vadd.s32 $0x5A07, v33;
	v61 =	vld [tilespmem:$0x1FEB0]  }
0x168: {  	v3 =	vadd.s32 v5, v14;
	v1 =	vld [tilespmem:s22+$0xFFFFFFF0]  }
0x169: {  	v16 =	vld [tilespmem:s22+$0xFFFFFF60];
	v24 =	vadd.s32 v52, v10  }
0x16a: {  	v7 =	vadd.s32 $0x5106, v33;
	v18 =	vld [tilespmem:s22+$0xFFFFFFA0];
	[tilespmem:v22+s14+$0x0] =	vst.idx.msk $0xffff, v15;
	v17 =	vadd.s32 v58, v12  }
0x16b: {  	v20 =	vadd.s32 v7, v13;
	v55 =	vld [tilespmem:$0x1FCA0]  }
0x16c: {  	v28 =	vld [tilespmem:s22+$0xFFFFFE20];
	v26 =	vadd.s32 v61, v9  }
0x16d: {  	v29 =	vld [tilespmem:s22+$0xFFFFFE70];
	[tilespmem:v3+s14+$0x0] =	vst.idx.msk $0xffff, v1  }
0x16e: {  	v15 =	vld [tilespmem:s22+$0xFFFFFEB0];
	[tilespmem:v24+s14+$0x0] =	vst.idx.msk $0xffff, v23  }
0x16f: {  	v40 =	vld [tilespmem:$0x1FCE0];
	[tilespmem:v17+s14+$0x0] =	vst.idx.msk $0xffff, v16  }
0x170: {  	v27 =	vadd.s32 v55, v32;
	v45 =	vld [tilespmem:$0x1FF00];
	[tilespmem:v20+s14+$0x0] =	vst.idx.msk $0xffff, v18  }
0x171: {  	v37 =	vld [tilespmem:s22+$0xFFFFFEF0];
	[tilespmem:v26+s14+$0x0] =	vst.idx.msk $0xffff, v28  }
0x172: {  	v8 =	vadd.s32 $0x6307, v33;
	v43 =	vld [tilespmem:$0x1FF80]  }
0x173: {  	v30 =	vadd.s32 v8, v14;
	v23 =	vld [tilespmem:s22+$0x0]  }
0x174: {  	v50 =	vld [tilespmem:s22+$0xFFFFFF30]  }
0x175: {  	[tilespmem:v27+s14+$0x0] =	vst.idx.msk $0xffff, v29;
	v27 =	vld [tilespmem:s22+$0xFFFFFF70];
	v34 =	vadd.s32 v40, v36  }
0x176: {  	s24 =	simm.s32 $0x8;
	v26 =	vld [tilespmem:s22+$0xFFFFFFB0];
	v19 =	vadd.s32 v45, v11  }
0x177: {  	v3 =	vmov s24;
	v48 =	vld [tilespmem:$0x1FFC0];
	v53 =	vadd.s32 v43, v10  }
0x178: {  	v31 =	vshrl.u32 v3, $0x7;
	[tilespmem:v30+s14+$0x0] =	vst.idx.msk $0xffff, v23;
	v30 =	vld [tilespmem:s22+$0xFFFFFE30]  }
0x179: {  	v23 =	vmul.u32 $0x2400, v31;
	v31 =	vld [tilespmem:s22+$0xFFFFFE80]  }
0x17a: {  	s26 =	simm.s32 $0xA;
	s25 =	simm.s32 $0x9;
	v57 =	vld [tilespmem:$0x1FEA0];
	[tilespmem:v34+s14+$0x0] =	vst.idx.msk $0xffff, v15  }
0x17b: {  	s31 =	simm.s32 $0xE;
	v25 =	vmov s26;
	s29 =	simm.s32 $0xC;
	s30 =	simm.s32 $0xD;
	v35 =	vmov s25;
	v0 =	vadd.s32 $0x6306, v33;
	v60 =	vld [tilespmem:$0x1FCB0];
	[tilespmem:v19+s14+$0x0] =	vst.idx.msk $0xffff, v37  }
0x17c: {  	s28 =	simm.s32 $0xB;
	v14 =	vmov s31;
	v21 =	vmov s29;
	v22 =	vmov s30;
	v54 =	vld [tilespmem:$0x1FEE0];
	[tilespmem:v53+s14+$0x0] =	vst.idx.msk $0xffff, v50  }
0x17d: {  	v1 =	vadd.s32 $0x5A06, v33;
	v3 =	vand.u32 $0x78, v3;
	v24 =	vmov s28;
	v62 =	vld [tilespmem:$0x1FEC0]  }
0x17e: {  	v17 =	vand.u32 $0x78, v24;
	v16 =	vand.u32 $0x78, v21;
	v29 =	vadd.s32 v48, v12;
	v56 =	vld [tilespmem:$0x1FF20]  }
0x17f: {  	v20 =	vand.u32 $0x78, v35;
	v18 =	vand.u32 $0x78, v25;
	v28 =	vadd.s32 v1, v13;
	v50 =	vld [tilespmem:$0x1FF90]  }
0x180: {  	v35 =	vshrl.u32 v35, $0x7;
	v25 =	vshrl.u32 v25, $0x7;
	v33 =	vadd.s32 v57, v9;
	v53 =	vld [tilespmem:$0x1FFE0]  }
0x181: {  	s23 =	simm.s32 $0x10;
	s24 =	simm.s32 $0xF;
	v15 =	vand.u32 $0x78, v22;
	v34 =	vadd.s32 v60, v32;
	v32 =	vld [tilespmem:s22+$0xFFFFFEC0];
	v19 =	vadd.s32 v54, v36  }
.LBB2_9:
0x182: {  	_ = 	snop  }
0x183: {  	v24 =	vshrl.u32 v24, $0x7;
	v36 =	vmov s24;
	v37 =	vld [tilespmem:s22+$0xFFFFFF00];
	v11 =	vadd.s32 v56, v11;
	[tilespmem:v29+s14+$0x0] =	vst.idx.msk $0xffff, v27  }
0x184: {  	v21 =	vshrl.u32 v21, $0x7;
	v10 =	vadd.s32 v50, v10;
	v27 =	vshrl.u32 v36, $0x7;
	v29 =	vld [tilespmem:s22+$0xFFFFFF40];
	[tilespmem:v28+s14+$0x0] =	vst.idx.msk $0xffff, v26  }
0x185: {  	v12 =	vadd.s32 v53, v12;
	v13 =	vadd.s32 v0, v13;
	[tilespmem:v33+s14+$0x0] =	vst.idx.msk $0xffff, v30;
	v26 =	vmul.u32 $0x2400, v27;
	v27 =	vld [tilespmem:s22+$0xFFFFFF80]  }
0x186: {  	v28 =	vmul.u32 $0x2400, v35;
	v30 =	vand.u32 $0x78, v36;
	[tilespmem:v34+s14+$0x0] =	vst.idx.msk $0xffff, v31;
	v33 =	vadd.s32 v62, v9;
	v31 =	vld [tilespmem:s22+$0xFFFFFFC0]  }
0x187: {  	[tilespmem:v19+s14+$0x0] =	vst.idx.msk $0xffff, v32;
	v9 =	vor.u32 v3, v23;
	v3 =	vmul.u32 $0x2400, v25;
	v26 =	vor.u32 v30, v26;
	v30 =	vld [tilespmem:s22+$0xFFFFFE40];
	s22 =	sadd.s32 $0x200, s22  }
0x188: {  	[tilespmem:v11+s14+$0x0] =	vst.idx.msk $0xffff, v37;
	v11 =	vmul.u32 $0x2400, v24;
	v35 =	vor.u32 v20, v28;
	v23 =	vld [tilespmem:s22+$0xFFFFFFD0];
	v25 =	vadd.s32 v6, v26  }
0x189: {  	v19 =	vor.u32 v18, v3;
	v3 =	vmul.u32 $0x2400, v21;
	v24 =	vadd.s32 v63, v35;
	v20 =	vld [tilespmem:s22+$0xFFFFFE50];
	[tilespmem:v10+s14+$0x0] =	vst.idx.msk $0xffff, v29  }
0x18a: {  	v22 =	vshrl.u32 v22, $0x7;
	v37 =	vadd.s32 v47, v9;
	v21 =	vadd.s32 v38, v19;
	v36 =	vld [tilespmem:s22+$0xFFFFFE10];
	[tilespmem:v12+s14+$0x0] =	vst.idx.msk $0xffff, v27  }
0x18b: {  	v11 =	vor.u32 v17, v11;
	v18 =	vld [tilespmem:s22+$0xFFFFFE90];
	v10 =	vor.u32 v16, v3;
	v3 =	vmul.u32 $0x2400, v22;
	[tilespmem:v13+s14+$0x0] =	vst.idx.msk $0xffff, v31  }
0x18c: {  	v17 =	vld [tilespmem:s22+$0xFFFFFED0];
	v12 =	vshrl.u32 v14, $0x7;
	v27 =	vadd.s32 v41, v11;
	[tilespmem:v33+s14+$0x0] =	vst.idx.msk $0xffff, v30  }
0x18d: {  	v16 =	vld [tilespmem:s22+$0xFFFFFF10];
	v22 =	vadd.s32 v49, v10;
	v13 =	vmul.u32 $0x2400, v12;
	v12 =	vor.u32 v15, v3;
	[tilespmem:v25+s14+$0x0] =	vst.idx.msk $0xffff, v23  }
0x18e: {  	v3 =	vand.u32 $0x78, v14;
	[tilespmem:v24+s14+$0x0] =	vst.idx.msk $0xffff, v20;
	v20 =	vld [tilespmem:s22+$0xFFFFFF50];
	v23 =	vadd.s32 v51, v12  }
0x18f: {  	v15 =	vadd.s32 v2, v26;
	[tilespmem:v37+s14+$0x0] =	vst.idx.msk $0xffff, v36;
	v13 =	vor.u32 v3, v13;
	v14 =	vld [tilespmem:s22+$0xFFFFFFE0]  }
0x190: {  	[tilespmem:v21+s14+$0x0] =	vst.idx.msk $0xffff, v18;
	v3 =	vld [tilespmem:s22+$0xFFFFFF90];
	v18 =	vadd.s32 v4, v13  }
0x191: {  	v24 =	vadd.s32 v44, v35;
	v21 =	vld [tilespmem:s22+$0xFFFFFE60];
	[tilespmem:v27+s14+$0x0] =	vst.idx.msk $0xffff, v17  }
0x192: {  	v25 =	vadd.s32 v39, v19;
	v17 =	vld [tilespmem:s22+$0xFFFFFEA0];
	[tilespmem:v22+s14+$0x0] =	vst.idx.msk $0xffff, v16  }
0x193: {  	v16 =	vld [tilespmem:s22+$0xFFFFFEE0];
	[tilespmem:v23+s14+$0x0] =	vst.idx.msk $0xffff, v20  }
0x194: {  	v22 =	vadd.s32 v46, v11;
	v20 =	vld [tilespmem:s22+$0xFFFFFF20];
	[tilespmem:v15+s14+$0x0] =	vst.idx.msk $0xffff, v14  }
0x195: {  	v23 =	vadd.s32 v52, v10;
	[tilespmem:v18+s14+$0x0] =	vst.idx.msk $0xffff, v3;
	v18 =	vld [tilespmem:s22+$0xFFFFFF60]  }
0x196: {  	[tilespmem:v24+s14+$0x0] =	vst.idx.msk $0xffff, v21;
	v21 =	vadd.s32 v58, v12;
	v14 =	vld [tilespmem:s22+$0xFFFFFFF0]  }
0x197: {  	v15 =	vadd.s32 v5, v26;
	[tilespmem:v25+s14+$0x0] =	vst.idx.msk $0xffff, v17;
	v17 =	vld [tilespmem:s22+$0xFFFFFFA0]  }
0x198: {  	v27 =	vadd.s32 v61, v9;
	v25 =	vld [tilespmem:s22+$0xFFFFFE20]  }
0x199: {  	v24 =	vadd.s32 v7, v13;
	[tilespmem:v22+s14+$0x0] =	vst.idx.msk $0xffff, v16;
	v16 =	vld [tilespmem:s22+$0xFFFFFE70]  }
0x19a: {  	v32 =	vld [tilespmem:s22+$0xFFFFFEB0];
	[tilespmem:v23+s14+$0x0] =	vst.idx.msk $0xffff, v20  }
0x19b: {  	v38 =	vld [tilespmem:s22+$0xFFFFFEF0];
	[tilespmem:v21+s14+$0x0] =	vst.idx.msk $0xffff, v18  }
0x19c: {  	v34 =	vadd.s32 v40, v19;
	v39 =	vadd.s32 v45, v11;
	v40 =	vld [tilespmem:s22+$0xFFFFFF30];
	[tilespmem:v15+s14+$0x0] =	vst.idx.msk $0xffff, v14  }
0x19d: {  	[tilespmem:v27+s14+$0x0] =	vst.idx.msk $0xffff, v25;
	v27 =	vld [tilespmem:s22+$0xFFFFFF70]  }
0x19e: {  	v28 =	vadd.s32 v55, v35;
	[tilespmem:v24+s14+$0x0] =	vst.idx.msk $0xffff, v17;
	v15 =	vld [tilespmem:s22+$0x0]  }
0x19f: {  	s26 =	sadd.s32 $0x1, s23;
	v41 =	vadd.s32 v43, v10;
	v29 =	vadd.s32 v48, v12;
	v23 =	vadd.s32 v8, v26;
	v26 =	vld [tilespmem:s22+$0xFFFFFFB0]  }
0x1a0: {  	s25 =	sadd.s32 $0x2, s23;
	v33 =	vadd.s32 v57, v9;
	v36 =	vmov s26;
	v3 =	vmov s23;
	v30 =	vld [tilespmem:s22+$0xFFFFFE30]  }
0x1a1: {  	p0 =	slt.u32 s23, $0xF8;
	s30 =	sadd.s32 $0x5, s23;
	v37 =	vmov s25;
	v19 =	vadd.s32 v54, v19;
	v31 =	vshrl.u32 v3, $0x7;
	[tilespmem:v39+s14+$0x0] =	vst.idx.msk $0xffff, v38;
	v39 =	vld [tilespmem:$0x1FCD0]  }
.Ltmp3:
0x1a2: {  	s28 =	sadd.s32 $0x3, s23;
	s29 =	sadd.s32 $0x4, s23;
	v3 =	vand.u32 $0x78, v3;
	v22 =	vmov s30;
	v20 =	vand.u32 $0x78, v36;
	[tilespmem:v34+s14+$0x0] =	vst.idx.msk $0xffff, v32;
	v38 =	vld [tilespmem:$0x1FCC0];
	(pc) =	sbr.rel @p0 .LBB2_9-.Ltmp3, $4  }
0x1a3: {  	s31 =	sadd.s32 $0x6, s23;
	v21 =	vmov s29;
	v18 =	vand.u32 $0x78, v37;
	v24 =	vmov s28;
	[tilespmem:v28+s14+$0x0] =	vst.idx.msk $0xffff, v16;
	v32 =	vld [tilespmem:s22+$0xFFFFFEC0]  }
0x1a4: {  	v14 =	vmov s31;
	v25 =	vshrl.u32 v37, $0x7;
	v28 =	vadd.s32 v1, v13;
	[tilespmem:v41+s14+$0x0] =	vst.idx.msk $0xffff, v40;
	v41 =	vld [tilespmem:$0x1FCF0]  }
0x1a5: {  	v17 =	vand.u32 $0x78, v24;
	v16 =	vand.u32 $0x78, v21;
	v34 =	vadd.s32 v60, v35;
	v40 =	vld [tilespmem:$0x1FCE0]  }
0x1a6: {  	s24 =	sadd.s32 $0x7, s23;
	s23 =	sadd.s32 $0x8, s23;
	v35 =	vshrl.u32 v36, $0x7;
	[tilespmem:v23+s14+$0x0] =	vst.idx.msk $0xffff, v15;
	v23 =	vmul.u32 $0x2400, v31;
	v15 =	vand.u32 $0x78, v22;
	v31 =	vld [tilespmem:s22+$0xFFFFFE80]  }
0x1a7: {  	_ =	sdelay $0x3  }
0x1a8: {  	v36 =	vmov s24;
	v37 =	vld [tilespmem:s22+$0xFFFFFF00];
	v11 =	vadd.s32 v56, v11;
	[tilespmem:v29+s14+$0x0] =	vst.idx.msk $0xffff, v27  }
0x1a9: {  	v24 =	vshrl.u32 v24, $0x7;
	v29 =	vld [tilespmem:s22+$0xFFFFFF40];
	v10 =	vadd.s32 v50, v10;
	[tilespmem:v28+s14+$0x0] =	vst.idx.msk $0xffff, v26;
	v27 =	vshrl.u32 v36, $0x7  }
0x1aa: {  	v21 =	vshrl.u32 v21, $0x7;
	[tilespmem:v33+s14+$0x0] =	vst.idx.msk $0xffff, v30;
	v13 =	vadd.s32 v0, v13;
	v30 =	vld [tilespmem:s22+$0xFFFFFFC0];
	v26 =	vmul.u32 $0x2400, v27  }
0x1ab: {  	v12 =	vadd.s32 v53, v12;
	v9 =	vadd.s32 v62, v9;
	v36 =	vand.u32 $0x78, v36;
	v33 =	vld [tilespmem:s22+$0xFFFFFE40];
	[tilespmem:v19+s14+$0x0] =	vst.idx.msk $0xffff, v32  }
0x1ac: {  	v22 =	vshrl.u32 v22, $0x7;
	s26 =	sadd.s32 $0x200, s22;
	v24 =	vmul.u32 $0x2400, v24;
	v27 =	vld [tilespmem:s22+$0xFFFFFF80];
	[tilespmem:v34+s14+$0x0] =	vst.idx.msk $0xffff, v31;
	v26 =	vor.u32 v36, v26  }
0x1ad: {  	v3 =	vor.u32 v3, v23;
	v23 =	vld [tilespmem:s26+$0xFFFFFFD0];
	v31 =	vmul.u32 $0x2400, v35;
	v6 =	vadd.s32 v6, v26;
	[tilespmem:v11+s14+$0x0] =	vst.idx.msk $0xffff, v37  }
0x1ae: {  	v17 =	vor.u32 v17, v24;
	v34 =	vmul.u32 $0x2400, v25;
	v35 =	vld [tilespmem:s26+$0xFFFFFE10];
	v36 =	vadd.s32 v47, v3;
	[tilespmem:v10+s14+$0x0] =	vst.idx.msk $0xffff, v29  }
0x1af: {  	v37 =	vmul.u32 $0x2400, v21;
	v20 =	vor.u32 v20, v31;
	[tilespmem:v13+s14+$0x0] =	vst.idx.msk $0xffff, v30;
	v30 =	vld [tilespmem:s26+$0xFFFFFED0];
	v31 =	vadd.s32 v41, v17  }
0x1b0: {  	v32 =	vmul.u32 $0x2400, v22;
	v10 =	vld [tilespmem:s26+$0xFFFFFE50];
	v18 =	vor.u32 v18, v34;
	[tilespmem:v9+s14+$0x0] =	vst.idx.msk $0xffff, v33;
	v29 =	vadd.s32 v63, v20  }
0x1b1: {  	[tilespmem:v12+s14+$0x0] =	vst.idx.msk $0xffff, v27;
	v12 =	vld [tilespmem:s26+$0xFFFFFE90];
	v47 =	vadd.s32 v38, v18;
	v63 =	vshrl.u32 v14, $0x7;
	v16 =	vor.u32 v16, v37  }
0x1b2: {  	v33 =	vld [tilespmem:s26+$0xFFFFFF10];
	v34 =	vadd.s32 v49, v16;
	v24 =	vmul.u32 $0x2400, v63;
	[tilespmem:v6+s14+$0x0] =	vst.idx.msk $0xffff, v23  }
0x1b3: {  	v2 =	vadd.s32 v2, v26;
	[tilespmem:v36+s14+$0x0] =	vst.idx.msk $0xffff, v35;
	v35 =	vand.u32 $0x78, v14;
	v6 =	vor.u32 v15, v32;
	v36 =	vld [tilespmem:s26+$0xFFFFFFE0]  }
0x1b4: {  	v37 =	vld [tilespmem:s26+$0xFFFFFF50];
	v11 =	vor.u32 v35, v24;
	v15 =	vadd.s32 v51, v6;
	[tilespmem:v31+s14+$0x0] =	vst.idx.msk $0xffff, v30  }
0x1b5: {  	v38 =	vld [tilespmem:s26+$0xFFFFFF90];
	v4 =	vadd.s32 v4, v11;
	[tilespmem:v29+s14+$0x0] =	vst.idx.msk $0xffff, v10  }
0x1b6: {  	v30 =	vld [tilespmem:s26+$0xFFFFFE20];
	v31 =	vadd.s32 v61, v3;
	[tilespmem:v47+s14+$0x0] =	vst.idx.msk $0xffff, v12  }
0x1b7: {  	v63 =	vadd.s32 v46, v17;
	v51 =	vld [tilespmem:s26+$0xFFFFFEE0];
	[tilespmem:v34+s14+$0x0] =	vst.idx.msk $0xffff, v33  }
0x1b8: {  	v44 =	vadd.s32 v44, v20;
	v41 =	vld [tilespmem:s26+$0xFFFFFE60];
	[tilespmem:v2+s14+$0x0] =	vst.idx.msk $0xffff, v36  }
0x1b9: {  	v49 =	vadd.s32 v39, v18;
	v47 =	vld [tilespmem:s26+$0xFFFFFEA0];
	[tilespmem:v15+s14+$0x0] =	vst.idx.msk $0xffff, v37  }
0x1ba: {  	v25 =	vadd.s32 v52, v16;
	v24 =	vld [tilespmem:s26+$0xFFFFFF20];
	[tilespmem:v4+s14+$0x0] =	vst.idx.msk $0xffff, v38  }
0x1bb: {  	v5 =	vadd.s32 v5, v26;
	[tilespmem:v31+s14+$0x0] =	vst.idx.msk $0xffff, v30;
	v2 =	vld [tilespmem:s26+$0xFFFFFFF0]  }
0x1bc: {  	v28 =	vadd.s32 v58, v6;
	v27 =	vld [tilespmem:s26+$0xFFFFFF60];
	[tilespmem:v63+s14+$0x0] =	vst.idx.msk $0xffff, v51  }
0x1bd: {  	v7 =	vadd.s32 v7, v11;
	v29 =	vld [tilespmem:s26+$0xFFFFFFA0];
	[tilespmem:v44+s14+$0x0] =	vst.idx.msk $0xffff, v41  }
0x1be: {  	v46 =	vadd.s32 v57, v3;
	v38 =	vadd.s32 v45, v17;
	v45 =	vld [tilespmem:s26+$0xFFFFFE30];
	[tilespmem:v49+s14+$0x0] =	vst.idx.msk $0xffff, v47  }
0x1bf: {  	v37 =	vld [tilespmem:s26+$0xFFFFFEF0];
	[tilespmem:v25+s14+$0x0] =	vst.idx.msk $0xffff, v24  }
0x1c0: {  	v33 =	vadd.s32 v55, v20;
	v32 =	vld [tilespmem:s26+$0xFFFFFE70];
	[tilespmem:v5+s14+$0x0] =	vst.idx.msk $0xffff, v2  }
0x1c1: {  	v36 =	vadd.s32 v40, v18;
	v35 =	vld [tilespmem:s26+$0xFFFFFEB0];
	[tilespmem:v28+s14+$0x0] =	vst.idx.msk $0xffff, v27  }
0x1c2: {  	v40 =	vadd.s32 v43, v16;
	v39 =	vld [tilespmem:s26+$0xFFFFFF30];
	[tilespmem:v7+s14+$0x0] =	vst.idx.msk $0xffff, v29  }
0x1c3: {  	v34 =	vadd.s32 v8, v26;
	[tilespmem:v46+s14+$0x0] =	vst.idx.msk $0xffff, v45;
	v2 =	vld [tilespmem:s26+$0x0]  }
0x1c4: {  	v43 =	vadd.s32 v48, v6;
	v41 =	vld [tilespmem:s26+$0xFFFFFF70];
	[tilespmem:v38+s14+$0x0] =	vst.idx.msk $0xffff, v37  }
0x1c5: {  	v1 =	vadd.s32 v1, v11;
	v44 =	vld [tilespmem:s26+$0xFFFFFFB0];
	[tilespmem:v33+s14+$0x0] =	vst.idx.msk $0xffff, v32  }
0x1c6: {  	v3 =	vadd.s32 v62, v3;
	v63 =	vld [tilespmem:s26+$0xFFFFFE40];
	[tilespmem:v36+s14+$0x0] =	vst.idx.msk $0xffff, v35  }
0x1c7: {  	v51 =	vadd.s32 v54, v18;
	v54 =	vadd.s32 v56, v17;
	v52 =	vld [tilespmem:s26+$0xFFFFFF00];
	[tilespmem:v40+s14+$0x0] =	vst.idx.msk $0xffff, v39  }
0x1c8: {  	v48 =	vadd.s32 v60, v20;
	v47 =	vld [tilespmem:s26+$0xFFFFFE80];
	[tilespmem:v34+s14+$0x0] =	vst.idx.msk $0xffff, v2  }
0x1c9: {  	v49 =	vld [tilespmem:s26+$0xFFFFFEC0];
	[tilespmem:v43+s14+$0x0] =	vst.idx.msk $0xffff, v41  }
0x1ca: {  	v56 =	vadd.s32 v50, v16;
	v55 =	vld [tilespmem:s26+$0xFFFFFF40];
	[tilespmem:v1+s14+$0x0] =	vst.idx.msk $0xffff, v44  }
0x1cb: {  	v58 =	vadd.s32 v53, v6;
	[tilespmem:v3+s14+$0x0] =	vst.idx.msk $0xffff, v63;
	v57 =	vld [tilespmem:s26+$0xFFFFFF80]  }
0x1cc: {  	v61 =	vadd.s32 v0, v11;
	v60 =	vld [tilespmem:s26+$0xFFFFFFC0];
	[tilespmem:v54+s14+$0x0] =	vst.idx.msk $0xffff, v52  }
0x1cd: {  	[tilespmem:v48+s14+$0x0] =	vst.idx.msk $0xffff, v47  }
0x1ce: {  	s21 =	sshll.u32 s21, $0x13;
	[tilespmem:v51+s14+$0x0] =	vst.idx.msk $0xffff, v49  }
0x1cf: {  	s21 =	sor.u32 s6, s21;
	[tilespmem:v56+s14+$0x0] =	vst.idx.msk $0xffff, v55  }
0x1d0: {  	s21 =	sshrl.u32 s21, $0x3;
	[tilespmem:v58+s14+$0x0] =	vst.idx.msk $0xffff, v57  }
0x1d1: {  	s28 =	simm.s32 $0x19000;
	s22 =	sadd.s32 s2, s21;
	[tilespmem:v61+s14+$0x0] =	vst.idx.msk $0xffff, v60  }
0x1d2: {  	[hbm4b:s22+s3] =	stream.linear.scatter [tilespmem:s28], [sflag:$0x4], $0x80, $0x38;
	[tilespmem:$0x1D800] =	vst v63  }
0x1d3: {  	s29 =	simm.s32 $0x19090;
	s23 =	sadd.s32 $0x10, s22  }
0x1d4: {  	[hbm4b:s23+s3] =	stream.linear.scatter [tilespmem:s29], [sflag:$0x4], $0x80, $0x38;
	[tilespmem:$0x1D800] =	vst v63  }
0x1d5: {  	s30 =	simm.s32 $0x19120;
	s25 =	simm.s32 $0x19240;
	s31 =	sadd.s32 $0x20, s22  }
0x1d6: {  	[hbm4b:s31+s3] =	stream.linear.scatter [tilespmem:s30], [sflag:$0x4], $0x80, $0x38;
	[tilespmem:$0x1D800] =	vst v63  }
0x1d7: {  	s21 =	simm.s32 $0x480;
	s24 =	sadd.s32 $0x30, s22;
	s23 =	simm.s32 $0x191B0  }
0x1d8: {  	[hbm4b:s24+s3] =	stream.linear.scatter [tilespmem:s23], [sflag:$0x4], $0x80, $0x38;
	[tilespmem:$0x1D800] =	vst v63  }
0x1d9: {  	s26 =	sadd.s32 $0x40, s22;
	s28 =	simm.s32 $0x192D0;
	s29 =	sadd.s32 $0x50, s22  }
0x1da: {  	[hbm4b:s26+s3] =	stream.linear.scatter [tilespmem:s25], [sflag:$0x4], $0x80, $0x38;
	[tilespmem:$0x1D800] =	vst v63  }
0x1db: {  	s30 =	simm.s32 $0x19360;
	s31 =	sadd.s32 $0x60, s22;
	s23 =	simm.s32 $0x2400  }
0x1dc: {  	[hbm4b:s29+s3] =	stream.linear.scatter [tilespmem:s28], [sflag:$0x4], $0x80, $0x38;
	[tilespmem:$0x1D800] =	vst v63  }
0x1dd: {  	s24 =	simm.s32 $0x193F0;
	s25 =	sadd.s32 $0x70, s22;
	s22 =	sadd.s32 $0x1000, s22  }
0x1de: {  	v55 =	vld [tilespmem:$0x1FFD0];
	[hbm4b:s31+s3] =	stream.linear.scatter [tilespmem:s30], [sflag:$0x4], $0x80, $0x38  }
.LBB2_11:
0x1df: {  	[hbm4b:s25+s3] =	stream.linear.scatter [tilespmem:s24], [sflag:$0x4], $0x80, $0x38;
	[tilespmem:$0x1D800] =	vst v63  }
0x1e0: {  	s24 =	smov.u32 s21;
	s21 =	smov.u32 s23  }
0x1e1: {  	s26 =	sadd.s32 $0x1200, s23;
	s21 =	sshra.s32 s21, $0x2;
	s25 =	sadd.s32 $0x19000, s24  }
0x1e2: {  	[hbm4b:s22+s3] =	stream.linear.scatter [tilespmem:s25], [sflag:$0x4], $0x80, $0x38;
	[tilespmem:$0x1D800] =	vst v63  }
0x1e3: {  	p0 =	sne.s32 s23, $0x10E00;
	s23 =	sadd.s32 $0x19090, s24;
	s25 =	sadd.s32 $0x10, s22  }
0x1e4: {  	[hbm4b:s25+s3] =	stream.linear.scatter [tilespmem:s23], [sflag:$0x4], $0x80, $0x38;
	[tilespmem:$0x1D800] =	vst v63  }
0x1e5: {  	s23 =	sadd.s32 $0x19120, s24;
	s25 =	sadd.s32 $0x20, s22  }
0x1e6: {  	[hbm4b:s25+s3] =	stream.linear.scatter [tilespmem:s23], [sflag:$0x4], $0x80, $0x38;
	[tilespmem:$0x1D800] =	vst v63  }
0x1e7: {  	s23 =	sadd.s32 $0x191B0, s24;
	s25 =	sadd.s32 $0x30, s22  }
0x1e8: {  	[hbm4b:s25+s3] =	stream.linear.scatter [tilespmem:s23], [sflag:$0x4], $0x80, $0x38;
	[tilespmem:$0x1D800] =	vst v63  }
0x1e9: {  	s23 =	sadd.s32 $0x19240, s24;
	s25 =	sadd.s32 $0x40, s22  }
0x1ea: {  	[hbm4b:s25+s3] =	stream.linear.scatter [tilespmem:s23], [sflag:$0x4], $0x80, $0x38;
	[tilespmem:$0x1D800] =	vst v63  }
.Ltmp4:
0x1eb: {  	s23 =	sadd.s32 $0x192D0, s24;
	s25 =	sadd.s32 $0x50, s22;
	(pc) =	sbr.rel @p0 .LBB2_11-.Ltmp4, $4  }
0x1ec: {  	[hbm4b:s25+s3] =	stream.linear.scatter [tilespmem:s23], [sflag:$0x4], $0x80, $0x38;
	[tilespmem:$0x1D800] =	vst v63  }
0x1ed: {  	s23 =	sadd.s32 $0x19360, s24;
	s25 =	sadd.s32 $0x60, s22;
	s24 =	sadd.s32 $0x193F0, s24  }
0x1ee: {  	[hbm4b:s25+s3] =	stream.linear.scatter [tilespmem:s23], [sflag:$0x4], $0x80, $0x38;
	[tilespmem:$0x1D800] =	vst v63  }
0x1ef: {  	s25 =	sadd.s32 $0x70, s22;
	s22 =	sadd.s32 $0x1000, s22;
	s23 =	smov.u32 s26  }
0x1f0: {  	v33 =	vld [tilespmem:$0x1FD30]  }
0x1f1: {  	v34 =	vld [tilespmem:$0x1FD90]  }
0x1f2: {  	v35 =	vld [tilespmem:$0x1FDA0]  }
0x1f3: {  	v36 =	vld [tilespmem:$0x1FDB0]  }
0x1f4: {  	[hbm4b:s25+s3] =	stream.linear.scatter [tilespmem:s24], [sflag:$0x4], $0x80, $0x38;
	v37 =	vld [tilespmem:$0x1FDC0]  }
0x1f5: {  	s23 =	sadd.s32 $0x19000, s21;
	v38 =	vld [tilespmem:$0x1FDD0]  }
0x1f6: {  	v39 =	vld [tilespmem:$0x1FDE0];
	[hbm4b:s22+s3] =	stream.linear.scatter [tilespmem:s23], [sflag:$0x4], $0x80, $0x38  }
0x1f7: {  	s30 =	sadd.s32 $0x19090, s21;
	s31 =	sadd.s32 $0x10, s22;
	v40 =	vld [tilespmem:$0x1FDF0]  }
0x1f8: {  	v41 =	vld [tilespmem:$0x1FE00];
	[hbm4b:s31+s3] =	stream.linear.scatter [tilespmem:s30], [sflag:$0x4], $0x80, $0x38  }
0x1f9: {  	s25 =	sadd.s32 $0x19120, s21;
	s26 =	sadd.s32 $0x20, s22;
	v24 =	vld [tilespmem:$0x1FE10]  }
0x1fa: {  	v44 =	vld [tilespmem:$0x1FE20];
	[hbm4b:s26+s3] =	stream.linear.scatter [tilespmem:s25], [sflag:$0x4], $0x80, $0x38  }
0x1fb: {  	s28 =	sadd.s32 $0x191B0, s21;
	s29 =	sadd.s32 $0x30, s22;
	v22 =	vld [tilespmem:$0x1FE30]  }
0x1fc: {  	v48 =	vld [tilespmem:$0x1FE40];
	[hbm4b:s29+s3] =	stream.linear.scatter [tilespmem:s28], [sflag:$0x4], $0x80, $0x38  }
0x1fd: {  	s20 =	sadd.s32 $0x1, s20;
	v25 =	vld [tilespmem:$0x1FF10];
	s30 =	sadd.s32 $0x19240, s21;
	s31 =	sadd.s32 $0x40, s22  }
0x1fe: {  	v31 =	vld [tilespmem:$0x1FF50];
	[hbm4b:s31+s3] =	stream.linear.scatter [tilespmem:s30], [sflag:$0x4], $0x80, $0x38  }
0x1ff: {  	v26 =	vld [tilespmem:$0x1FE50];
	p0 =	sne.s32 s20, $0x32;
	s25 =	sadd.s32 $0x192D0, s21;
	s26 =	sadd.s32 $0x50, s22  }
0x200: {  	v32 =	vmov v42;
	v42 =	vld [tilespmem:$0x1FF70];
	[hbm4b:s26+s3] =	stream.linear.scatter [tilespmem:s25], [sflag:$0x4], $0x80, $0x38  }
.Ltmp5:
0x201: {  	v27 =	vld [tilespmem:$0x1FE60];
	(pc) =	sbr.rel @p0 .LBB2_4-.Ltmp5, $4  }
0x202: {  	v60 =	vld [tilespmem:$0x1FE70];
	s28 =	sadd.s32 $0x19360, s21;
	s29 =	sadd.s32 $0x60, s22  }
0x203: {  	v28 =	vld [tilespmem:$0x1FE80];
	[hbm4b:s29+s3] =	stream.linear.scatter [tilespmem:s28], [sflag:$0x4], $0x80, $0x38  }
0x204: {  	v29 =	vld [tilespmem:$0x1FF30];
	s30 =	sadd.s32 $0x193F0, s21;
	s31 =	sadd.s32 $0x70, s22  }
0x205: {  	v30 =	vld [tilespmem:$0x1FFF0];
	[hbm4b:s31+s3] =	stream.linear.scatter [tilespmem:s30], [sflag:$0x4], $0x80, $0x38  }
0x206: {  	_ =	swait.ge [sflag:s16], $0x4000  }
0x207: {  	[sflag:s16] =	ssyncset.done $0x0  }
0x208: {  	[sflag:s16] =	ssyncadd.s32 $0xFFFFC000  }
0x209: {  	_ =	swait.ge [sflag:s17], $0x4000  }
0x20a: {  	v2 =	vld [tilespmem:$0x1FD00]  }
0x20b: {  	s18 =	sadd.s32 $0x1, s18;
	v3 =	vld [tilespmem:$0x1FD10]  }
0x20c: {  	p0 =	sne.s32 s18, s7;
	v4 =	vld [tilespmem:$0x1FD20]  }
.Ltmp6:
0x20d: {  	v5 =	vld [tilespmem:$0x1FD40];
	(pc) =	sbr.rel @p0 .LBB2_1-.Ltmp6, $4  }
0x20e: {  	v6 =	vld [tilespmem:$0x1FD50]  }
0x20f: {  	v7 =	vld [tilespmem:$0x1FD60]  }
0x210: {  	[sflag:s17] =	ssyncset.done $0x0;
	v8 =	vld [tilespmem:$0x1FD70]  }
0x211: {  	v9 =	vld [tilespmem:$0x1FD80];
	[sflag:s17] =	ssyncadd.s32 $0xFFFFC000  }
0x212: {  	_ =	sfence.sel $0x180000  }
0x213: {  	[bflag:$0x0] =	sbarrier.arrive $0xFFFF  }
0x214: {  	p0 =	sne.s32 s0, $0x0;
	_ =	strace $0x90000047  }
0x215: {  	s0 =	sadd.s32 @!p0 $0x100000, s1;
	[bflag:$0x2] =	sbarrier.arrive $0xFFFF  }
0x216: {  	[sflag:s0] =	ssyncadd.tile.s32 @!p0 $0x1;
	_ =	shalt  }
.Lfunc_end2:
_tile_overlayer_lowered:
.L_overlay_start_2:
0x217: {  	(tag) =	ssettag $0x2  }
0x218: {  	s0 =	rddreg [dreg:$0x0];
	s2 =	stileid.u32  }
0x219: {  	s1 =	rddreg [dreg:$0x1];
	p0 =	sne.s32 s2, $0x0  }
0x21a: {  	s3 =	rddreg [dreg:$0x2];
	[bflag:$0x3] =	sbarrier.arrive $0xFFFF;
	s2 =	simm.s32 @!p0 $0x1C05  }
0x21b: {  	[timem:s3], [sflag:s2] =	dma.local @!p0 [hbm:s0], s1  }
0x21c: {  	s0 =	simm.s32 @!p0 $0x5  }
0x21d: {  	_ =	swait.ge @!p0 [sflag:s0], s1  }
0x21e: {  	s1 =	ssub.s32 @!p0 $0x0, s1;
	[sflag:s0] =	ssyncset.done @!p0 $0x0  }
0x21f: {  	[sflag:s0] =	ssyncadd.s32 @!p0 s1  }
0x220: {  	[bflag:$0x3] =	sbarrier.arrive $0xFFFF  }
0x221: {  	_ =	shalt  }

</sc_bundles>
